<compile_context>
chip_gen: v7x
topology: tpu7x:2x2x1
jax: 0.10.2.dev20260603
libtpu: 0.0.44.dev20260713+nightly
codegen_flags: <defaults>
</compile_context>

<pallas_src>
import functools

import jax
import jax.numpy as jnp
from jax import lax
from jax.experimental import pallas as pl
from jax.experimental.pallas import tpu as pltpu
from jax.experimental.pallas import tpu_sc as plsc

N = 10000
E = 160000
D = 256
H = 256
C = 40
CP = 64

NC = 2
NS = 16
DEGP = 10240
EB3, NB3 = 40, 5
EB5, NB5 = 80, 5

RB = 1000
NRB = N // RB

_mesh = plsc.VectorSubcoreMesh(core_axis_name="c", subcore_axis_name="s")

_sc_params = pltpu.CompilerParams(
    needs_layout_passes=False, use_tc_tiling_on_sc=False)


def _deg_body(dst_hbm, zdeg_hbm, out_hbm, idx_v, deg_v):
    c = lax.axis_index("c")
    s = lax.axis_index("s")
    wid = c * NS + s
    n_edges = E // (NC * NS)
    pltpu.sync_copy(zdeg_hbm, deg_v)
    idx_v[pl.ds(n_edges - 8, 16)] = jnp.zeros((16,), jnp.int32)
    pltpu.sync_copy(dst_hbm.at[pl.ds(wid * n_edges, n_edges)],
                    idx_v.at[pl.ds(0, n_edges)])
    ones = jnp.ones((16,), jnp.float32)
    iota = lax.iota(jnp.int32, 16)
    nblk = (n_edges + 15) // 16

    @pl.loop(0, nblk)
    def _(k):
        idx = idx_v[pl.ds(k * 16, 16)]
        mask = (k * 16 + iota) < n_edges
        plsc.addupdate_scatter(deg_v, [idx], ones, mask=mask)

    pltpu.sync_copy(deg_v, out_hbm.at[wid])


def _deg_kernel(dst32, zdeg):
    k = pl.kernel(
        _deg_body,
        out_type=jax.ShapeDtypeStruct((NC * NS, DEGP), jnp.float32),
        mesh=_mesh,
        compiler_params=_sc_params,
        scratch_types=[
            pltpu.VMEM((E // (NC * NS) + 8, ), jnp.int32),
            pltpu.VMEM((DEGP,), jnp.float32),
        ],
    )
    return k(dst32, zdeg)


def _make_scatter(F, eb, nb):
    rows_per_tile = N // NS
    ept = E // NS
    nblk = ept // eb
    assert nblk * eb == ept and nblk % nb == 0 and eb % 8 == 0

    def body(y_hbm, src_hbm, dst_hbm, out_hbm,
             src_v, dst_v, rows_v, acc_sh, *sems):
        c = lax.axis_index("c")
        s = lax.axis_index("s")
        yc = y_hbm.at[c]
        pltpu.sync_copy(yc.at[pl.ds(s * rows_per_tile, rows_per_tile)],
                        acc_sh.at[pl.ds(s * rows_per_tile, rows_per_tile)])
        pltpu.sync_copy(src_hbm.at[pl.ds(s * ept, ept)], src_v)
        pltpu.sync_copy(dst_hbm.at[pl.ds(s * ept, ept)], dst_v)
        plsc.subcore_barrier()

        for b in range(nb):
            pltpu.async_copy(
                yc.at[src_v.at[pl.ds(b * eb, eb)]], rows_v.at[b], sems[b])

        @pl.loop(0, nblk, step=nb)
        def _(j0):
            for b in range(nb):
                j = j0 + b
                pltpu.make_async_copy(
                    yc.at[src_v.at[pl.ds(j * eb, eb)]], rows_v.at[b],
                    sems[b]).wait()
                pltpu.sync_copy(rows_v.at[b],
                                acc_sh.at[dst_v.at[pl.ds(j * eb, eb)]],
                                add=True)

                @pl.when(j + nb < nblk)
                def _():
                    pltpu.async_copy(
                        yc.at[src_v.at[pl.ds((j + nb) * eb, eb)]],
                        rows_v.at[b], sems[b])

        plsc.subcore_barrier()
        pltpu.sync_copy(
            acc_sh.at[pl.ds(s * rows_per_tile, rows_per_tile)],
            out_hbm.at[c].at[pl.ds(s * rows_per_tile, rows_per_tile)])

    def run(y3, src, dst):
        k = pl.kernel(
            body,
            out_type=jax.ShapeDtypeStruct((NC, N, F), jnp.float32),
            mesh=_mesh,
            compiler_params=_sc_params,
            scratch_types=[
                pltpu.VMEM((ept,), jnp.int32),
                pltpu.VMEM((ept,), jnp.int32),
                pltpu.VMEM((nb, eb, F), jnp.float32),
                pltpu.VMEM_SHARED((N, F), jnp.float32),
            ] + [pltpu.SemaphoreType.DMA] * nb,
        )
        return k(y3, src, dst)

    return run


_scatter128 = _make_scatter(128, EB3, NB3)
_scatter32 = _make_scatter(32, EB5, NB5)


def _k2_body(x_ref, w1_ref, degp_ref, y_ref):
    deg = jnp.sum(degp_ref[...], axis=1, keepdims=True) + 1.0
    dinv = lax.rsqrt(deg)
    xw = jnp.dot(x_ref[...], w1_ref[...], preferred_element_type=jnp.float32)
    y_ref[...] = (xw * dinv)[None]


def _k2(x, W1, degp):
    return pl.pallas_call(
        _k2_body,
        grid=(NRB, 2),
        in_specs=[
            pl.BlockSpec((RB, D), lambda i, c: (i, 0)),
            pl.BlockSpec((D, 128), lambda i, c: (0, c)),
            pl.BlockSpec((RB, NC * NS), lambda i, c: (i, 0)),
        ],
        out_specs=pl.BlockSpec((1, RB, 128), lambda i, c: (c, i, 0)),
        out_shape=jax.ShapeDtypeStruct((NC, N, 128), jnp.float32),
    )(x, W1, degp)


def _k4_body(s1a_ref, s1b_ref, degp_ref, b1_ref,
             w2a_ref, w2b_ref, y2_ref):
    dinv = lax.rsqrt(jnp.sum(degp_ref[...], axis=1, keepdims=True) + 1.0)
    b1 = b1_ref[...]
    ha = jnp.maximum(dinv * s1a_ref[0] + b1[:, :128], 0.0)
    hb = jnp.maximum(dinv * s1b_ref[0] + b1[:, 128:], 0.0)
    u = (jnp.dot(ha.astype(jnp.bfloat16), w2a_ref[0],
                 preferred_element_type=jnp.float32)
         + jnp.dot(hb.astype(jnp.bfloat16), w2b_ref[0],
                   preferred_element_type=jnp.float32))
    y2_ref[...] = (dinv * u)[None]


def _k4(s1, degt, b1r, W2a, W2b):
    return pl.pallas_call(
        _k4_body,
        grid=(NRB, 2),
        in_specs=[
            pl.BlockSpec((1, RB, 128), lambda i, c: (0, i, 0)),
            pl.BlockSpec((1, RB, 128), lambda i, c: (1, i, 0)),
            pl.BlockSpec((RB, NC * NS), lambda i, c: (i, 0)),
            pl.BlockSpec((1, D), lambda i, c: (0, 0)),
            pl.BlockSpec((1, 128, 32), lambda i, c: (c, 0, 0)),
            pl.BlockSpec((1, 128, 32), lambda i, c: (c, 0, 0)),
        ],
        out_specs=pl.BlockSpec((1, RB, 32), lambda i, c: (c, i, 0)),
        out_shape=jax.ShapeDtypeStruct((NC, N, 32), jnp.float32),
    )(s1, s1, degt, b1r, W2a, W2b)


def _k6_body(s2a_ref, s2b_ref, degp_ref, b2_ref,
             wla_ref, wlb_ref, out_ref):
    dinv = lax.rsqrt(jnp.sum(degp_ref[...], axis=1, keepdims=True) + 1.0)
    b2 = b2_ref[...]
    h2a = dinv * s2a_ref[0] + b2[:, :32]
    h2b = dinv * s2b_ref[0] + b2[:, 32:]
    logits = (jnp.dot(h2a, wla_ref[...], preferred_element_type=jnp.float32)
              + jnp.dot(h2b, wlb_ref[...], preferred_element_type=jnp.float32))
    m = jnp.max(logits, axis=1, keepdims=True)
    ex = jnp.exp(logits - m)
    lse = jnp.log(jnp.sum(ex, axis=1, keepdims=True))
    out_ref[...] = logits - m - lse


def _k6(s2, degt, b2r, WlA, WlB):
    return pl.pallas_call(
        _k6_body,
        grid=(NRB,),
        in_specs=[
            pl.BlockSpec((1, RB, 32), lambda i: (0, i, 0)),
            pl.BlockSpec((1, RB, 32), lambda i: (1, i, 0)),
            pl.BlockSpec((RB, NC * NS), lambda i: (i, 0)),
            pl.BlockSpec((1, CP), lambda i: (0, 0)),
            pl.BlockSpec((32, C), lambda i: (0, 0)),
            pl.BlockSpec((32, C), lambda i: (0, 0)),
        ],
        out_specs=pl.BlockSpec((RB, C), lambda i: (i, 0)),
        out_shape=jax.ShapeDtypeStruct((N, C), jnp.float32),
    )(s2, s2, degt, b2r, WlA, WlB)


def kernel(x, edge_index, W1, b1, W2, b2, Wlast):
    src = edge_index[0].astype(jnp.int32)
    dst = edge_index[1].astype(jnp.int32)

    zdeg = jnp.zeros((DEGP,), jnp.float32)

    b1r = b1.reshape(1, D)
    W2p = jnp.pad(W2, ((0, 0), (0, CP - C))).astype(jnp.bfloat16)
    W2a = W2p[:128].reshape(128, 2, 32).transpose(1, 0, 2)
    W2b = W2p[128:].reshape(128, 2, 32).transpose(1, 0, 2)
    b2r = jnp.pad(b2, (0, CP - C)).reshape(1, CP)
    Wlp = jnp.pad(Wlast, ((0, CP - C), (0, 0)))
    WlA, WlB = Wlp[:32], Wlp[32:]

    degp = _deg_kernel(dst, zdeg)
    degt = degp.T[:N]
    y1 = _k2(x.astype(jnp.bfloat16), W1.astype(jnp.bfloat16),
             degt)
    s1 = _scatter128(y1, src, dst)
    y2 = _k4(s1, degt, b1r, W2a, W2b)
    s2 = _scatter32(y2, src, dst)
    return _k6(s2, degt, b2r, WlA, WlB)

# --- scband reference (transcript-rebuilt; emitter-appended) ---
"""Pipeline reference for scband-br-gcn2-3-88467736363032 (READ-ONLY COPY).

The authoritative reference and input builder live on the scoring server;
editing this copy changes nothing except your own understanding.
"""

import jax, jax.numpy as jnp
import numpy as np

N_NODES = 10000
N_EDGES = 160000
D_FEAT = 256
HIDDEN = 256
N_CLASSES = 40


def setup_inputs(seed: int = 0) -> dict:
    key = jax.random.key(seed)
    k1, k2, k3, k4, k5, k6, k7 = jax.random.split(key, 7)
    x = jax.random.normal(k1, (N_NODES, D_FEAT), dtype=jnp.float32)
    edge_index = jax.random.randint(k2, (2, N_EDGES), 0, N_NODES, dtype=jnp.int64)
    # GCNConv layer 0: d_feat -> hidden
    W1 = jax.random.normal(k3, (D_FEAT, HIDDEN), dtype=jnp.float32) * (1.0 / np.sqrt(D_FEAT))
    b1 = jnp.zeros((HIDDEN,), dtype=jnp.float32)
    # GCNConv layer 1: hidden -> num_classes
    W2 = jax.random.normal(k4, (HIDDEN, N_CLASSES), dtype=jnp.float32) * (1.0 / np.sqrt(HIDDEN))
    b2 = jnp.zeros((N_CLASSES,), dtype=jnp.float32)
    # lastLin: num_classes -> num_classes, bias=False
    Wlast = jax.random.normal(k5, (N_CLASSES, N_CLASSES), dtype=jnp.float32) * (1.0 / np.sqrt(N_CLASSES))
    return {"x": x, "edge_index": edge_index, "W1": W1, "b1": b1, "W2": W2, "b2": b2, "Wlast": Wlast}


def gcn_conv(x, edge_index, W, b, n_nodes):
    # PyG GCNConv: add self-loops, symmetric normalization D^-1/2 (A+I) D^-1/2 X W + b
    xw = x @ W
    loop = jnp.arange(n_nodes, dtype=edge_index.dtype)
    src = jnp.concatenate([edge_index[0], loop])
    dst = jnp.concatenate([edge_index[1], loop])
    deg = jnp.zeros((n_nodes,), dtype=xw.dtype).at[dst].add(1.0)
    deg_inv_sqrt = jnp.where(deg > 0, 1.0 / jnp.sqrt(deg), 0.0)
    norm = deg_inv_sqrt[src] * deg_inv_sqrt[dst]
    msg = xw[src] * norm[:, None]
    out = jnp.zeros((n_nodes, xw.shape[1]), dtype=xw.dtype).at[dst].add(msg)
    return out + b


def reference(x, edge_index, W1, b1, W2, b2, Wlast):
    n = x.shape[0]
    # br_multiplies = [[0],[0]] -> bc_features/bc_assignment are None; BCMPLayer3 with k=1
    # reduces to a single GCNConv per layer.
    # layer 0
    h = gcn_conv(x, edge_index, W1, b1, n)
    # layer 1: relu + dropout (eval -> identity) then conv
    h = jax.nn.relu(h)
    h = gcn_conv(h, edge_index, W2, b2, n)
    # lastLin (no bias)
    h = h @ Wlast
    return jax.nn.log_softmax(h, axis=1)

if __name__ == "__main__":
    import jax
    _d = setup_inputs()
    print(jax.jit(kernel)(*tuple(_d.values())))

</pallas_src>

<mosaic_0001>
#map = affine_map<(d0, d1) -> (0, 0, 0)>
#map1 = affine_map<(d0, d1) -> (0)>
module attributes {stable_mosaic.version = 14 : i64} {
  func.func @body(%arg0: i32, %arg1: i32, %arg2: memref<2x10000x128xf32, #tpu.memory_space<hbm>>, %arg3: memref<160000xi32, #tpu.memory_space<hbm>>, %arg4: memref<160000xi32, #tpu.memory_space<hbm>>, %arg5: memref<2x10000x128xf32, #tpu.memory_space<hbm>>, %arg6: memref<10000xi32, #tpu.memory_space<vmem>>, %arg7: memref<10000xi32, #tpu.memory_space<vmem>>, %arg8: memref<5x40x128xf32, #tpu.memory_space<vmem>>, %arg9: memref<10000x128xf32, #tpu.memory_space<vmem_shared>>, %arg10: memref<!tpu.dma_semaphore, #tpu.memory_space<semaphore_mem>>, %arg11: memref<!tpu.dma_semaphore, #tpu.memory_space<semaphore_mem>>, %arg12: memref<!tpu.dma_semaphore, #tpu.memory_space<semaphore_mem>>, %arg13: memref<!tpu.dma_semaphore, #tpu.memory_space<semaphore_mem>>, %arg14: memref<!tpu.dma_semaphore, #tpu.memory_space<semaphore_mem>>) attributes {dimension_semantics = [#tpu.dimension_semantics<core_parallel>, #tpu.dimension_semantics<subcore_parallel>], iteration_bounds = array<i64: 2, 16>, scalar_prefetch = 0 : i64, scratch_operands = 9 : i64, tpu.core_type = #tpu.core_type<sc_vector_subcore>, window_params = [{transform_indices = #map}, {transform_indices = #map1}, {transform_indices = #map1}, {transform_indices = #map}]} {
    %mul3A = arith.constant 625 : i32
    %mul3A_0 = arith.muli %arg1, %mul3A : i32
    %mul3A_1 = arith.constant 625 : i32
    %mul3A_2 = arith.muli %arg1, %mul3A_1 : i32
    "tpu.region"() ({
      %run_scoped3A = tpu.sem_alloc : memref<!tpu.dma_semaphore, #tpu.memory_space<semaphore_mem>>
      %dma_start3A_85 = arith.constant 0 : i32
      %dma_start3A_86 = tpu.memref_slice %arg9[%mul3A_2, %dma_start3A_85] : memref<10000x128xf32, #tpu.memory_space<vmem_shared>> -> memref<625x128xf32, #tpu.memory_space<vmem_shared>>
      %dma_start3A_87 = arith.constant 0 : i32
      %dma_start3A_88 = arith.constant 0 : i32
      %dma_start3A_89 = tpu.memref_slice %arg2[%arg0, %dma_start3A_87, %dma_start3A_88] : memref<2x10000x128xf32, #tpu.memory_space<hbm>> -> memref<1x10000x128xf32, #tpu.memory_space<hbm>>
      %dma_start3A_90 = tpu.memref_squeeze %dma_start3A_89 : memref<1x10000x128xf32, #tpu.memory_space<hbm>> -> memref<10000x128xf32, #tpu.memory_space<hbm>>
      %dma_start3A_91 = arith.constant 0 : i32
      %dma_start3A_92 = tpu.memref_slice %dma_start3A_90[%mul3A_0, %dma_start3A_91] : memref<10000x128xf32, #tpu.memory_space<hbm>> -> memref<625x128xf32, #tpu.memory_space<hbm>>
      tpu.enqueue_dma source(%dma_start3A_92 : memref<625x128xf32, #tpu.memory_space<hbm>>) target(%dma_start3A_86 : memref<625x128xf32, #tpu.memory_space<vmem_shared>>) target_semaphore(%run_scoped3A : memref<!tpu.dma_semaphore, #tpu.memory_space<semaphore_mem>>)
      %dma_wait3A = arith.constant 0 : i32
      %dma_wait3A_93 = tpu.memref_slice %arg9[%mul3A_2, %dma_wait3A] : memref<10000x128xf32, #tpu.memory_space<vmem_shared>> -> memref<625x128xf32, #tpu.memory_space<vmem_shared>>
      %dma_wait3A_94 = arith.constant 0 : i32
      %dma_wait3A_95 = arith.constant 0 : i32
      %dma_wait3A_96 = tpu.memref_slice %arg2[%arg0, %dma_wait3A_94, %dma_wait3A_95] : memref<2x10000x128xf32, #tpu.memory_space<hbm>> -> memref<1x10000x128xf32, #tpu.memory_space<hbm>>
      %dma_wait3A_97 = tpu.memref_squeeze %dma_wait3A_96 : memref<1x10000x128xf32, #tpu.memory_space<hbm>> -> memref<10000x128xf32, #tpu.memory_space<hbm>>
      %dma_wait3A_98 = arith.constant 0 : i32
      %dma_wait3A_99 = tpu.memref_slice %dma_wait3A_97[%mul3A_0, %dma_wait3A_98] : memref<10000x128xf32, #tpu.memory_space<hbm>> -> memref<625x128xf32, #tpu.memory_space<hbm>>
      tpu.wait_dma2 semaphore(%run_scoped3A : memref<!tpu.dma_semaphore, #tpu.memory_space<semaphore_mem>>) src(%dma_wait3A_99 : memref<625x128xf32, #tpu.memory_space<hbm>>) dst(%dma_wait3A_93 : memref<625x128xf32, #tpu.memory_space<vmem_shared>>)
      tpu.yield
    }) : () -> ()
    %mul3A_3 = arith.constant 10000 : i32
    %mul3A_4 = arith.muli %arg1, %mul3A_3 : i32
    "tpu.region"() ({
      %run_scoped3A = tpu.sem_alloc : memref<!tpu.dma_semaphore, #tpu.memory_space<semaphore_mem>>
      %dma_start3A_85 = tpu.memref_slice %arg3[%mul3A_4] : memref<160000xi32, #tpu.memory_space<hbm>> -> memref<10000xi32, #tpu.memory_space<hbm>>
      %dma_start3A_86 = tpu.memref_slice %arg3[%mul3A_4] : memref<160000xi32, #tpu.memory_space<hbm>> -> memref<10000xi32, #tpu.memory_space<hbm>>
      tpu.enqueue_dma source(%dma_start3A_86 : memref<10000xi32, #tpu.memory_space<hbm>>) target(%arg6 : memref<10000xi32, #tpu.memory_space<vmem>>) target_semaphore(%run_scoped3A : memref<!tpu.dma_semaphore, #tpu.memory_space<semaphore_mem>>)
      %dma_wait3A = tpu.memref_slice %arg3[%mul3A_4] : memref<160000xi32, #tpu.memory_space<hbm>> -> memref<10000xi32, #tpu.memory_space<hbm>>
      %dma_wait3A_87 = tpu.memref_slice %arg3[%mul3A_4] : memref<160000xi32, #tpu.memory_space<hbm>> -> memref<10000xi32, #tpu.memory_space<hbm>>
      tpu.wait_dma2 semaphore(%run_scoped3A : memref<!tpu.dma_semaphore, #tpu.memory_space<semaphore_mem>>) src(%dma_wait3A_87 : memref<10000xi32, #tpu.memory_space<hbm>>) dst(%arg6 : memref<10000xi32, #tpu.memory_space<vmem>>)
      tpu.yield
    }) : () -> ()
    %mul3A_5 = arith.constant 10000 : i32
    %mul3A_6 = arith.muli %arg1, %mul3A_5 : i32
    "tpu.region"() ({
      %run_scoped3A = tpu.sem_alloc : memref<!tpu.dma_semaphore, #tpu.memory_space<semaphore_mem>>
      %dma_start3A_85 = tpu.memref_slice %arg4[%mul3A_6] : memref<160000xi32, #tpu.memory_space<hbm>> -> memref<10000xi32, #tpu.memory_space<hbm>>
      %dma_start3A_86 = tpu.memref_slice %arg4[%mul3A_6] : memref<160000xi32, #tpu.memory_space<hbm>> -> memref<10000xi32, #tpu.memory_space<hbm>>
      tpu.enqueue_dma source(%dma_start3A_86 : memref<10000xi32, #tpu.memory_space<hbm>>) target(%arg7 : memref<10000xi32, #tpu.memory_space<vmem>>) target_semaphore(%run_scoped3A : memref<!tpu.dma_semaphore, #tpu.memory_space<semaphore_mem>>)
      %dma_wait3A = tpu.memref_slice %arg4[%mul3A_6] : memref<160000xi32, #tpu.memory_space<hbm>> -> memref<10000xi32, #tpu.memory_space<hbm>>
      %dma_wait3A_87 = tpu.memref_slice %arg4[%mul3A_6] : memref<160000xi32, #tpu.memory_space<hbm>> -> memref<10000xi32, #tpu.memory_space<hbm>>
      tpu.wait_dma2 semaphore(%run_scoped3A : memref<!tpu.dma_semaphore, #tpu.memory_space<semaphore_mem>>) src(%dma_wait3A_87 : memref<10000xi32, #tpu.memory_space<hbm>>) dst(%arg7 : memref<10000xi32, #tpu.memory_space<vmem>>)
      tpu.yield
    }) : () -> ()
    %barrier3A = arith.constant 0 : index
    tpu.barrier barrier_id(%barrier3A)
    %dma_start3A = arith.constant 0 : i32
    %dma_start3A_7 = arith.constant 0 : i32
    %dma_start3A_8 = arith.constant 0 : i32
    %dma_start3A_9 = tpu.memref_slice %arg8[%dma_start3A, %dma_start3A_7, %dma_start3A_8] : memref<5x40x128xf32, #tpu.memory_space<vmem>> -> memref<1x40x128xf32, #tpu.memory_space<vmem>>
    %dma_start3A_10 = tpu.memref_squeeze %dma_start3A_9 : memref<1x40x128xf32, #tpu.memory_space<vmem>> -> memref<40x128xf32, #tpu.memory_space<vmem>>
    %dma_start3A_11 = arith.constant 0 : i32
    %dma_start3A_12 = tpu.memref_slice %arg6[%dma_start3A_11] : memref<10000xi32, #tpu.memory_space<vmem>> -> memref<40xi32, #tpu.memory_space<vmem>>
    %dma_start3A_13 = arith.constant 0 : i32
    %dma_start3A_14 = arith.constant 0 : i32
    %dma_start3A_15 = tpu.memref_slice %arg2[%arg0, %dma_start3A_13, %dma_start3A_14] : memref<2x10000x128xf32, #tpu.memory_space<hbm>> -> memref<1x10000x128xf32, #tpu.memory_space<hbm>>
    %dma_start3A_16 = tpu.memref_squeeze %dma_start3A_15 : memref<1x10000x128xf32, #tpu.memory_space<hbm>> -> memref<10000x128xf32, #tpu.memory_space<hbm>>
    %dma_start3A_17 = arith.constant 0 : i32
    %dma_start3A_18 = arith.constant 0 : i32
    %dma_start3A_19 = tpu.memref_slice %dma_start3A_16[%dma_start3A_17, %dma_start3A_18] : memref<10000x128xf32, #tpu.memory_space<hbm>> -> memref<10000x128xf32, #tpu.memory_space<hbm>>
    tpu.enqueue_indirect_dma source(%dma_start3A_19 : memref<10000x128xf32, #tpu.memory_space<hbm>>) target(%dma_start3A_10 : memref<40x128xf32, #tpu.memory_space<vmem>>) offsets(%dma_start3A_12 : memref<40xi32, #tpu.memory_space<vmem>>) semaphore(%arg10 : memref<!tpu.dma_semaphore, #tpu.memory_space<semaphore_mem>>)
    %dma_start3A_20 = arith.constant 1 : i32
    %dma_start3A_21 = arith.constant 0 : i32
    %dma_start3A_22 = arith.constant 0 : i32
    %dma_start3A_23 = tpu.memref_slice %arg8[%dma_start3A_20, %dma_start3A_21, %dma_start3A_22] : memref<5x40x128xf32, #tpu.memory_space<vmem>> -> memref<1x40x128xf32, #tpu.memory_space<vmem>>
    %dma_start3A_24 = tpu.memref_squeeze %dma_start3A_23 : memref<1x40x128xf32, #tpu.memory_space<vmem>> -> memref<40x128xf32, #tpu.memory_space<vmem>>
    %dma_start3A_25 = arith.constant 40 : i32
    %dma_start3A_26 = tpu.memref_slice %arg6[%dma_start3A_25] : memref<10000xi32, #tpu.memory_space<vmem>> -> memref<40xi32, #tpu.memory_space<vmem>>
    %dma_start3A_27 = arith.constant 0 : i32
    %dma_start3A_28 = arith.constant 0 : i32
    %dma_start3A_29 = tpu.memref_slice %arg2[%arg0, %dma_start3A_27, %dma_start3A_28] : memref<2x10000x128xf32, #tpu.memory_space<hbm>> -> memref<1x10000x128xf32, #tpu.memory_space<hbm>>
    %dma_start3A_30 = tpu.memref_squeeze %dma_start3A_29 : memref<1x10000x128xf32, #tpu.memory_space<hbm>> -> memref<10000x128xf32, #tpu.memory_space<hbm>>
    %dma_start3A_31 = arith.constant 0 : i32
    %dma_start3A_32 = arith.constant 0 : i32
    %dma_start3A_33 = tpu.memref_slice %dma_start3A_30[%dma_start3A_31, %dma_start3A_32] : memref<10000x128xf32, #tpu.memory_space<hbm>> -> memref<10000x128xf32, #tpu.memory_space<hbm>>
    tpu.enqueue_indirect_dma source(%dma_start3A_33 : memref<10000x128xf32, #tpu.memory_space<hbm>>) target(%dma_start3A_24 : memref<40x128xf32, #tpu.memory_space<vmem>>) offsets(%dma_start3A_26 : memref<40xi32, #tpu.memory_space<vmem>>) semaphore(%arg11 : memref<!tpu.dma_semaphore, #tpu.memory_space<semaphore_mem>>)
    %dma_start3A_34 = arith.constant 2 : i32
    %dma_start3A_35 = arith.constant 0 : i32
    %dma_start3A_36 = arith.constant 0 : i32
    %dma_start3A_37 = tpu.memref_slice %arg8[%dma_start3A_34, %dma_start3A_35, %dma_start3A_36] : memref<5x40x128xf32, #tpu.memory_space<vmem>> -> memref<1x40x128xf32, #tpu.memory_space<vmem>>
    %dma_start3A_38 = tpu.memref_squeeze %dma_start3A_37 : memref<1x40x128xf32, #tpu.memory_space<vmem>> -> memref<40x128xf32, #tpu.memory_space<vmem>>
    %dma_start3A_39 = arith.constant 80 : i32
    %dma_start3A_40 = tpu.memref_slice %arg6[%dma_start3A_39] : memref<10000xi32, #tpu.memory_space<vmem>> -> memref<40xi32, #tpu.memory_space<vmem>>
    %dma_start3A_41 = arith.constant 0 : i32
    %dma_start3A_42 = arith.constant 0 : i32
    %dma_start3A_43 = tpu.memref_slice %arg2[%arg0, %dma_start3A_41, %dma_start3A_42] : memref<2x10000x128xf32, #tpu.memory_space<hbm>> -> memref<1x10000x128xf32, #tpu.memory_space<hbm>>
    %dma_start3A_44 = tpu.memref_squeeze %dma_start3A_43 : memref<1x10000x128xf32, #tpu.memory_space<hbm>> -> memref<10000x128xf32, #tpu.memory_space<hbm>>
    %dma_start3A_45 = arith.constant 0 : i32
    %dma_start3A_46 = arith.constant 0 : i32
    %dma_start3A_47 = tpu.memref_slice %dma_start3A_44[%dma_start3A_45, %dma_start3A_46] : memref<10000x128xf32, #tpu.memory_space<hbm>> -> memref<10000x128xf32, #tpu.memory_space<hbm>>
    tpu.enqueue_indirect_dma source(%dma_start3A_47 : memref<10000x128xf32, #tpu.memory_space<hbm>>) target(%dma_start3A_38 : memref<40x128xf32, #tpu.memory_space<vmem>>) offsets(%dma_start3A_40 : memref<40xi32, #tpu.memory_space<vmem>>) semaphore(%arg12 : memref<!tpu.dma_semaphore, #tpu.memory_space<semaphore_mem>>)
    %dma_start3A_48 = arith.constant 3 : i32
    %dma_start3A_49 = arith.constant 0 : i32
    %dma_start3A_50 = arith.constant 0 : i32
    %dma_start3A_51 = tpu.memref_slice %arg8[%dma_start3A_48, %dma_start3A_49, %dma_start3A_50] : memref<5x40x128xf32, #tpu.memory_space<vmem>> -> memref<1x40x128xf32, #tpu.memory_space<vmem>>
    %dma_start3A_52 = tpu.memref_squeeze %dma_start3A_51 : memref<1x40x128xf32, #tpu.memory_space<vmem>> -> memref<40x128xf32, #tpu.memory_space<vmem>>
    %dma_start3A_53 = arith.constant 120 : i32
    %dma_start3A_54 = tpu.memref_slice %arg6[%dma_start3A_53] : memref<10000xi32, #tpu.memory_space<vmem>> -> memref<40xi32, #tpu.memory_space<vmem>>
    %dma_start3A_55 = arith.constant 0 : i32
    %dma_start3A_56 = arith.constant 0 : i32
    %dma_start3A_57 = tpu.memref_slice %arg2[%arg0, %dma_start3A_55, %dma_start3A_56] : memref<2x10000x128xf32, #tpu.memory_space<hbm>> -> memref<1x10000x128xf32, #tpu.memory_space<hbm>>
    %dma_start3A_58 = tpu.memref_squeeze %dma_start3A_57 : memref<1x10000x128xf32, #tpu.memory_space<hbm>> -> memref<10000x128xf32, #tpu.memory_space<hbm>>
    %dma_start3A_59 = arith.constant 0 : i32
    %dma_start3A_60 = arith.constant 0 : i32
    %dma_start3A_61 = tpu.memref_slice %dma_start3A_58[%dma_start3A_59, %dma_start3A_60] : memref<10000x128xf32, #tpu.memory_space<hbm>> -> memref<10000x128xf32, #tpu.memory_space<hbm>>
    tpu.enqueue_indirect_dma source(%dma_start3A_61 : memref<10000x128xf32, #tpu.memory_space<hbm>>) target(%dma_start3A_52 : memref<40x128xf32, #tpu.memory_space<vmem>>) offsets(%dma_start3A_54 : memref<40xi32, #tpu.memory_space<vmem>>) semaphore(%arg13 : memref<!tpu.dma_semaphore, #tpu.memory_space<semaphore_mem>>)
    %dma_start3A_62 = arith.constant 4 : i32
    %dma_start3A_63 = arith.constant 0 : i32
    %dma_start3A_64 = arith.constant 0 : i32
    %dma_start3A_65 = tpu.memref_slice %arg8[%dma_start3A_62, %dma_start3A_63, %dma_start3A_64] : memref<5x40x128xf32, #tpu.memory_space<vmem>> -> memref<1x40x128xf32, #tpu.memory_space<vmem>>
    %dma_start3A_66 = tpu.memref_squeeze %dma_start3A_65 : memref<1x40x128xf32, #tpu.memory_space<vmem>> -> memref<40x128xf32, #tpu.memory_space<vmem>>
    %dma_start3A_67 = arith.constant 160 : i32
    %dma_start3A_68 = tpu.memref_slice %arg6[%dma_start3A_67] : memref<10000xi32, #tpu.memory_space<vmem>> -> memref<40xi32, #tpu.memory_space<vmem>>
    %dma_start3A_69 = arith.constant 0 : i32
    %dma_start3A_70 = arith.constant 0 : i32
    %dma_start3A_71 = tpu.memref_slice %arg2[%arg0, %dma_start3A_69, %dma_start3A_70] : memref<2x10000x128xf32, #tpu.memory_space<hbm>> -> memref<1x10000x128xf32, #tpu.memory_space<hbm>>
    %dma_start3A_72 = tpu.memref_squeeze %dma_start3A_71 : memref<1x10000x128xf32, #tpu.memory_space<hbm>> -> memref<10000x128xf32, #tpu.memory_space<hbm>>
    %dma_start3A_73 = arith.constant 0 : i32
    %dma_start3A_74 = arith.constant 0 : i32
    %dma_start3A_75 = tpu.memref_slice %dma_start3A_72[%dma_start3A_73, %dma_start3A_74] : memref<10000x128xf32, #tpu.memory_space<hbm>> -> memref<10000x128xf32, #tpu.memory_space<hbm>>
    tpu.enqueue_indirect_dma source(%dma_start3A_75 : memref<10000x128xf32, #tpu.memory_space<hbm>>) target(%dma_start3A_66 : memref<40x128xf32, #tpu.memory_space<vmem>>) offsets(%dma_start3A_68 : memref<40xi32, #tpu.memory_space<vmem>>) semaphore(%arg14 : memref<!tpu.dma_semaphore, #tpu.memory_space<semaphore_mem>>)
    %scan3A = arith.constant 0 : i32
    %scan3A_76 = arith.constant 50 : i32
    %scan3A_77 = arith.addi %scan3A, %scan3A_76 : i32
    %scan3A_78 = arith.constant 1 : i32
    scf.for %scan3A_85 = %scan3A to %scan3A_77 step %scan3A_78  : i32 {
      %mul3A_86 = arith.constant 5 : i32
      %mul3A_87 = arith.muli %scan3A_85, %mul3A_86 : i32
      %add3A = arith.constant 0 : i32
      %add3A_88 = arith.addi %add3A, %mul3A_87 : i32
      %add3A_89 = arith.constant 0 : i32
      %add3A_90 = arith.addi %add3A_88, %add3A_89 : i32
      %mul3A_91 = arith.constant 40 : i32
      %mul3A_92 = arith.muli %add3A_90, %mul3A_91 : i32
      %dma_wait3A = arith.constant 0 : i32
      %dma_wait3A_93 = arith.constant 0 : i32
      %dma_wait3A_94 = arith.constant 0 : i32
      %dma_wait3A_95 = tpu.memref_slice %arg8[%dma_wait3A, %dma_wait3A_93, %dma_wait3A_94] : memref<5x40x128xf32, #tpu.memory_space<vmem>> -> memref<1x40x128xf32, #tpu.memory_space<vmem>>
      %dma_wait3A_96 = tpu.memref_squeeze %dma_wait3A_95 : memref<1x40x128xf32, #tpu.memory_space<vmem>> -> memref<40x128xf32, #tpu.memory_space<vmem>>
      %dma_wait3A_97 = tpu.memref_slice %arg6[%mul3A_92] : memref<10000xi32, #tpu.memory_space<vmem>> -> memref<40xi32, #tpu.memory_space<vmem>>
      %dma_wait3A_98 = arith.constant 0 : i32
      %dma_wait3A_99 = arith.constant 0 : i32
      %dma_wait3A_100 = tpu.memref_slice %arg2[%arg0, %dma_wait3A_98, %dma_wait3A_99] : memref<2x10000x128xf32, #tpu.memory_space<hbm>> -> memref<1x10000x128xf32, #tpu.memory_space<hbm>>
      %dma_wait3A_101 = tpu.memref_squeeze %dma_wait3A_100 : memref<1x10000x128xf32, #tpu.memory_space<hbm>> -> memref<10000x128xf32, #tpu.memory_space<hbm>>
      %dma_wait3A_102 = arith.constant 0 : i32
      %dma_wait3A_103 = arith.constant 0 : i32
      %dma_wait3A_104 = tpu.memref_slice %dma_wait3A_101[%dma_wait3A_102, %dma_wait3A_103] : memref<10000x128xf32, #tpu.memory_space<hbm>> -> memref<10000x128xf32, #tpu.memory_space<hbm>>
      tpu.wait_indirect_dma semaphore(%arg10 : memref<!tpu.dma_semaphore, #tpu.memory_space<semaphore_mem>>) src(%dma_wait3A_104 : memref<10000x128xf32, #tpu.memory_space<hbm>>) dst(%dma_wait3A_96 : memref<40x128xf32, #tpu.memory_space<vmem>>)
      %mul3A_105 = arith.constant 40 : i32
      %mul3A_106 = arith.muli %add3A_90, %mul3A_105 : i32
      %run_scoped3A = arith.constant 0 : i32
      "tpu.region"() ({
        %run_scoped3A_219 = tpu.sem_alloc : memref<!tpu.dma_semaphore, #tpu.memory_space<semaphore_mem>>
        %dma_start3A_220 = arith.constant 0 : i32
        %dma_start3A_221 = arith.constant 0 : i32
        %dma_start3A_222 = tpu.memref_slice %arg8[%run_scoped3A, %dma_start3A_220, %dma_start3A_221] : memref<5x40x128xf32, #tpu.memory_space<vmem>> -> memref<1x40x128xf32, #tpu.memory_space<vmem>>
        %dma_start3A_223 = tpu.memref_squeeze %dma_start3A_222 : memref<1x40x128xf32, #tpu.memory_space<vmem>> -> memref<40x128xf32, #tpu.memory_space<vmem>>
        %dma_start3A_224 = tpu.memref_slice %arg7[%mul3A_106] : memref<10000xi32, #tpu.memory_space<vmem>> -> memref<40xi32, #tpu.memory_space<vmem>>
        %dma_start3A_225 = arith.constant 0 : i32
        %dma_start3A_226 = arith.constant 0 : i32
        %dma_start3A_227 = tpu.memref_slice %arg9[%dma_start3A_225, %dma_start3A_226] : memref<10000x128xf32, #tpu.memory_space<vmem_shared>> -> memref<10000x128xf32, #tpu.memory_space<vmem_shared>>
        tpu.enqueue_indirect_dma source(%dma_start3A_223 : memref<40x128xf32, #tpu.memory_space<vmem>>) target(%dma_start3A_227 : memref<10000x128xf32, #tpu.memory_space<vmem_shared>>) offsets(%dma_start3A_224 : memref<40xi32, #tpu.memory_space<vmem>>) semaphore(%run_scoped3A_219 : memref<!tpu.dma_semaphore, #tpu.memory_space<semaphore_mem>>) {add = true}
        %dma_wait3A_228 = arith.constant 0 : i32
        %dma_wait3A_229 = arith.constant 0 : i32
        %dma_wait3A_230 = tpu.memref_slice %arg8[%run_scoped3A, %dma_wait3A_228, %dma_wait3A_229] : memref<5x40x128xf32, #tpu.memory_space<vmem>> -> memref<1x40x128xf32, #tpu.memory_space<vmem>>
        %dma_wait3A_231 = tpu.memref_squeeze %dma_wait3A_230 : memref<1x40x128xf32, #tpu.memory_space<vmem>> -> memref<40x128xf32, #tpu.memory_space<vmem>>
        %dma_wait3A_232 = tpu.memref_slice %arg7[%mul3A_106] : memref<10000xi32, #tpu.memory_space<vmem>> -> memref<40xi32, #tpu.memory_space<vmem>>
        %dma_wait3A_233 = arith.constant 0 : i32
        %dma_wait3A_234 = arith.constant 0 : i32
        %dma_wait3A_235 = tpu.memref_slice %arg9[%dma_wait3A_233, %dma_wait3A_234] : memref<10000x128xf32, #tpu.memory_space<vmem_shared>> -> memref<10000x128xf32, #tpu.memory_space<vmem_shared>>
        tpu.wait_indirect_dma semaphore(%run_scoped3A_219 : memref<!tpu.dma_semaphore, #tpu.memory_space<semaphore_mem>>) src(%dma_wait3A_231 : memref<40x128xf32, #tpu.memory_space<vmem>>) dst(%dma_wait3A_235 : memref<10000x128xf32, #tpu.memory_space<vmem_shared>>)
        tpu.yield
      }) : () -> ()
      %add3A_107 = arith.constant 5 : i32
      %add3A_108 = arith.addi %add3A_90, %add3A_107 : i32
      %lt3A = arith.constant 250 : i32
      %lt3A_109 = arith.cmpi slt, %add3A_108, %lt3A : i32
      %convert_element_type3A = arith.extui %lt3A_109 : i1 to i32
      %cond3A = arith.constant 0 : i32
      %cond3A_110 = arith.cmpi ne, %convert_element_type3A, %cond3A : i32
      scf.if %cond3A_110 {
        %add3A_219 = arith.constant 5 : i32
        %add3A_220 = arith.addi %add3A_90, %add3A_219 : i32
        %mul3A_221 = arith.constant 40 : i32
        %mul3A_222 = arith.muli %add3A_220, %mul3A_221 : i32
        %dma_start3A_223 = arith.constant 0 : i32
        %dma_start3A_224 = arith.constant 0 : i32
        %dma_start3A_225 = arith.constant 0 : i32
        %dma_start3A_226 = tpu.memref_slice %arg8[%dma_start3A_223, %dma_start3A_224, %dma_start3A_225] : memref<5x40x128xf32, #tpu.memory_space<vmem>> -> memref<1x40x128xf32, #tpu.memory_space<vmem>>
        %dma_start3A_227 = tpu.memref_squeeze %dma_start3A_226 : memref<1x40x128xf32, #tpu.memory_space<vmem>> -> memref<40x128xf32, #tpu.memory_space<vmem>>
        %dma_start3A_228 = tpu.memref_slice %arg6[%mul3A_222] : memref<10000xi32, #tpu.memory_space<vmem>> -> memref<40xi32, #tpu.memory_space<vmem>>
        %dma_start3A_229 = arith.constant 0 : i32
        %dma_start3A_230 = arith.constant 0 : i32
        %dma_start3A_231 = tpu.memref_slice %arg2[%arg0, %dma_start3A_229, %dma_start3A_230] : memref<2x10000x128xf32, #tpu.memory_space<hbm>> -> memref<1x10000x128xf32, #tpu.memory_space<hbm>>
        %dma_start3A_232 = tpu.memref_squeeze %dma_start3A_231 : memref<1x10000x128xf32, #tpu.memory_space<hbm>> -> memref<10000x128xf32, #tpu.memory_space<hbm>>
        %dma_start3A_233 = arith.constant 0 : i32
        %dma_start3A_234 = arith.constant 0 : i32
        %dma_start3A_235 = tpu.memref_slice %dma_start3A_232[%dma_start3A_233, %dma_start3A_234] : memref<10000x128xf32, #tpu.memory_space<hbm>> -> memref<10000x128xf32, #tpu.memory_space<hbm>>
        tpu.enqueue_indirect_dma source(%dma_start3A_235 : memref<10000x128xf32, #tpu.memory_space<hbm>>) target(%dma_start3A_227 : memref<40x128xf32, #tpu.memory_space<vmem>>) offsets(%dma_start3A_228 : memref<40xi32, #tpu.memory_space<vmem>>) semaphore(%arg10 : memref<!tpu.dma_semaphore, #tpu.memory_space<semaphore_mem>>)
      } else {
      }
      %add3A_111 = arith.constant 1 : i32
      %add3A_112 = arith.addi %add3A_88, %add3A_111 : i32
      %mul3A_113 = arith.constant 40 : i32
      %mul3A_114 = arith.muli %add3A_112, %mul3A_113 : i32
      %dma_wait3A_115 = arith.constant 1 : i32
      %dma_wait3A_116 = arith.constant 0 : i32
      %dma_wait3A_117 = arith.constant 0 : i32
      %dma_wait3A_118 = tpu.memref_slice %arg8[%dma_wait3A_115, %dma_wait3A_116, %dma_wait3A_117] : memref<5x40x128xf32, #tpu.memory_space<vmem>> -> memref<1x40x128xf32, #tpu.memory_space<vmem>>
      %dma_wait3A_119 = tpu.memref_squeeze %dma_wait3A_118 : memref<1x40x128xf32, #tpu.memory_space<vmem>> -> memref<40x128xf32, #tpu.memory_space<vmem>>
      %dma_wait3A_120 = tpu.memref_slice %arg6[%mul3A_114] : memref<10000xi32, #tpu.memory_space<vmem>> -> memref<40xi32, #tpu.memory_space<vmem>>
      %dma_wait3A_121 = arith.constant 0 : i32
      %dma_wait3A_122 = arith.constant 0 : i32
      %dma_wait3A_123 = tpu.memref_slice %arg2[%arg0, %dma_wait3A_121, %dma_wait3A_122] : memref<2x10000x128xf32, #tpu.memory_space<hbm>> -> memref<1x10000x128xf32, #tpu.memory_space<hbm>>
      %dma_wait3A_124 = tpu.memref_squeeze %dma_wait3A_123 : memref<1x10000x128xf32, #tpu.memory_space<hbm>> -> memref<10000x128xf32, #tpu.memory_space<hbm>>
      %dma_wait3A_125 = arith.constant 0 : i32
      %dma_wait3A_126 = arith.constant 0 : i32
      %dma_wait3A_127 = tpu.memref_slice %dma_wait3A_124[%dma_wait3A_125, %dma_wait3A_126] : memref<10000x128xf32, #tpu.memory_space<hbm>> -> memref<10000x128xf32, #tpu.memory_space<hbm>>
      tpu.wait_indirect_dma semaphore(%arg11 : memref<!tpu.dma_semaphore, #tpu.memory_space<semaphore_mem>>) src(%dma_wait3A_127 : memref<10000x128xf32, #tpu.memory_space<hbm>>) dst(%dma_wait3A_119 : memref<40x128xf32, #tpu.memory_space<vmem>>)
      %mul3A_128 = arith.constant 40 : i32
      %mul3A_129 = arith.muli %add3A_112, %mul3A_128 : i32
      %run_scoped3A_130 = arith.constant 1 : i32
      "tpu.region"() ({
        %run_scoped3A_219 = tpu.sem_alloc : memref<!tpu.dma_semaphore, #tpu.memory_space<semaphore_mem>>
        %dma_start3A_220 = arith.constant 0 : i32
        %dma_start3A_221 = arith.constant 0 : i32
        %dma_start3A_222 = tpu.memref_slice %arg8[%run_scoped3A_130, %dma_start3A_220, %dma_start3A_221] : memref<5x40x128xf32, #tpu.memory_space<vmem>> -> memref<1x40x128xf32, #tpu.memory_space<vmem>>
        %dma_start3A_223 = tpu.memref_squeeze %dma_start3A_222 : memref<1x40x128xf32, #tpu.memory_space<vmem>> -> memref<40x128xf32, #tpu.memory_space<vmem>>
        %dma_start3A_224 = tpu.memref_slice %arg7[%mul3A_129] : memref<10000xi32, #tpu.memory_space<vmem>> -> memref<40xi32, #tpu.memory_space<vmem>>
        %dma_start3A_225 = arith.constant 0 : i32
        %dma_start3A_226 = arith.constant 0 : i32
        %dma_start3A_227 = tpu.memref_slice %arg9[%dma_start3A_225, %dma_start3A_226] : memref<10000x128xf32, #tpu.memory_space<vmem_shared>> -> memref<10000x128xf32, #tpu.memory_space<vmem_shared>>
        tpu.enqueue_indirect_dma source(%dma_start3A_223 : memref<40x128xf32, #tpu.memory_space<vmem>>) target(%dma_start3A_227 : memref<10000x128xf32, #tpu.memory_space<vmem_shared>>) offsets(%dma_start3A_224 : memref<40xi32, #tpu.memory_space<vmem>>) semaphore(%run_scoped3A_219 : memref<!tpu.dma_semaphore, #tpu.memory_space<semaphore_mem>>) {add = true}
        %dma_wait3A_228 = arith.constant 0 : i32
        %dma_wait3A_229 = arith.constant 0 : i32
        %dma_wait3A_230 = tpu.memref_slice %arg8[%run_scoped3A_130, %dma_wait3A_228, %dma_wait3A_229] : memref<5x40x128xf32, #tpu.memory_space<vmem>> -> memref<1x40x128xf32, #tpu.memory_space<vmem>>
        %dma_wait3A_231 = tpu.memref_squeeze %dma_wait3A_230 : memref<1x40x128xf32, #tpu.memory_space<vmem>> -> memref<40x128xf32, #tpu.memory_space<vmem>>
        %dma_wait3A_232 = tpu.memref_slice %arg7[%mul3A_129] : memref<10000xi32, #tpu.memory_space<vmem>> -> memref<40xi32, #tpu.memory_space<vmem>>
        %dma_wait3A_233 = arith.constant 0 : i32
        %dma_wait3A_234 = arith.constant 0 : i32
        %dma_wait3A_235 = tpu.memref_slice %arg9[%dma_wait3A_233, %dma_wait3A_234] : memref<10000x128xf32, #tpu.memory_space<vmem_shared>> -> memref<10000x128xf32, #tpu.memory_space<vmem_shared>>
        tpu.wait_indirect_dma semaphore(%run_scoped3A_219 : memref<!tpu.dma_semaphore, #tpu.memory_space<semaphore_mem>>) src(%dma_wait3A_231 : memref<40x128xf32, #tpu.memory_space<vmem>>) dst(%dma_wait3A_235 : memref<10000x128xf32, #tpu.memory_space<vmem_shared>>)
        tpu.yield
      }) : () -> ()
      %add3A_131 = arith.constant 5 : i32
      %add3A_132 = arith.addi %add3A_112, %add3A_131 : i32
      %lt3A_133 = arith.constant 250 : i32
      %lt3A_134 = arith.cmpi slt, %add3A_132, %lt3A_133 : i32
      %convert_element_type3A_135 = arith.extui %lt3A_134 : i1 to i32
      %cond3A_136 = arith.constant 0 : i32
      %cond3A_137 = arith.cmpi ne, %convert_element_type3A_135, %cond3A_136 : i32
      scf.if %cond3A_137 {
        %add3A_219 = arith.constant 5 : i32
        %add3A_220 = arith.addi %add3A_112, %add3A_219 : i32
        %mul3A_221 = arith.constant 40 : i32
        %mul3A_222 = arith.muli %add3A_220, %mul3A_221 : i32
        %dma_start3A_223 = arith.constant 1 : i32
        %dma_start3A_224 = arith.constant 0 : i32
        %dma_start3A_225 = arith.constant 0 : i32
        %dma_start3A_226 = tpu.memref_slice %arg8[%dma_start3A_223, %dma_start3A_224, %dma_start3A_225] : memref<5x40x128xf32, #tpu.memory_space<vmem>> -> memref<1x40x128xf32, #tpu.memory_space<vmem>>
        %dma_start3A_227 = tpu.memref_squeeze %dma_start3A_226 : memref<1x40x128xf32, #tpu.memory_space<vmem>> -> memref<40x128xf32, #tpu.memory_space<vmem>>
        %dma_start3A_228 = tpu.memref_slice %arg6[%mul3A_222] : memref<10000xi32, #tpu.memory_space<vmem>> -> memref<40xi32, #tpu.memory_space<vmem>>
        %dma_start3A_229 = arith.constant 0 : i32
        %dma_start3A_230 = arith.constant 0 : i32
        %dma_start3A_231 = tpu.memref_slice %arg2[%arg0, %dma_start3A_229, %dma_start3A_230] : memref<2x10000x128xf32, #tpu.memory_space<hbm>> -> memref<1x10000x128xf32, #tpu.memory_space<hbm>>
        %dma_start3A_232 = tpu.memref_squeeze %dma_start3A_231 : memref<1x10000x128xf32, #tpu.memory_space<hbm>> -> memref<10000x128xf32, #tpu.memory_space<hbm>>
        %dma_start3A_233 = arith.constant 0 : i32
        %dma_start3A_234 = arith.constant 0 : i32
        %dma_start3A_235 = tpu.memref_slice %dma_start3A_232[%dma_start3A_233, %dma_start3A_234] : memref<10000x128xf32, #tpu.memory_space<hbm>> -> memref<10000x128xf32, #tpu.memory_space<hbm>>
        tpu.enqueue_indirect_dma source(%dma_start3A_235 : memref<10000x128xf32, #tpu.memory_space<hbm>>) target(%dma_start3A_227 : memref<40x128xf32, #tpu.memory_space<vmem>>) offsets(%dma_start3A_228 : memref<40xi32, #tpu.memory_space<vmem>>) semaphore(%arg11 : memref<!tpu.dma_semaphore, #tpu.memory_space<semaphore_mem>>)
      } else {
      }
      %add3A_138 = arith.constant 2 : i32
      %add3A_139 = arith.addi %add3A_88, %add3A_138 : i32
      %mul3A_140 = arith.constant 40 : i32
      %mul3A_141 = arith.muli %add3A_139, %mul3A_140 : i32
      %dma_wait3A_142 = arith.constant 2 : i32
      %dma_wait3A_143 = arith.constant 0 : i32
      %dma_wait3A_144 = arith.constant 0 : i32
      %dma_wait3A_145 = tpu.memref_slice %arg8[%dma_wait3A_142, %dma_wait3A_143, %dma_wait3A_144] : memref<5x40x128xf32, #tpu.memory_space<vmem>> -> memref<1x40x128xf32, #tpu.memory_space<vmem>>
      %dma_wait3A_146 = tpu.memref_squeeze %dma_wait3A_145 : memref<1x40x128xf32, #tpu.memory_space<vmem>> -> memref<40x128xf32, #tpu.memory_space<vmem>>
      %dma_wait3A_147 = tpu.memref_slice %arg6[%mul3A_141] : memref<10000xi32, #tpu.memory_space<vmem>> -> memref<40xi32, #tpu.memory_space<vmem>>
      %dma_wait3A_148 = arith.constant 0 : i32
      %dma_wait3A_149 = arith.constant 0 : i32
      %dma_wait3A_150 = tpu.memref_slice %arg2[%arg0, %dma_wait3A_148, %dma_wait3A_149] : memref<2x10000x128xf32, #tpu.memory_space<hbm>> -> memref<1x10000x128xf32, #tpu.memory_space<hbm>>
      %dma_wait3A_151 = tpu.memref_squeeze %dma_wait3A_150 : memref<1x10000x128xf32, #tpu.memory_space<hbm>> -> memref<10000x128xf32, #tpu.memory_space<hbm>>
      %dma_wait3A_152 = arith.constant 0 : i32
      %dma_wait3A_153 = arith.constant 0 : i32
      %dma_wait3A_154 = tpu.memref_slice %dma_wait3A_151[%dma_wait3A_152, %dma_wait3A_153] : memref<10000x128xf32, #tpu.memory_space<hbm>> -> memref<10000x128xf32, #tpu.memory_space<hbm>>
      tpu.wait_indirect_dma semaphore(%arg12 : memref<!tpu.dma_semaphore, #tpu.memory_space<semaphore_mem>>) src(%dma_wait3A_154 : memref<10000x128xf32, #tpu.memory_space<hbm>>) dst(%dma_wait3A_146 : memref<40x128xf32, #tpu.memory_space<vmem>>)
      %mul3A_155 = arith.constant 40 : i32
      %mul3A_156 = arith.muli %add3A_139, %mul3A_155 : i32
      %run_scoped3A_157 = arith.constant 2 : i32
      "tpu.region"() ({
        %run_scoped3A_219 = tpu.sem_alloc : memref<!tpu.dma_semaphore, #tpu.memory_space<semaphore_mem>>
        %dma_start3A_220 = arith.constant 0 : i32
        %dma_start3A_221 = arith.constant 0 : i32
        %dma_start3A_222 = tpu.memref_slice %arg8[%run_scoped3A_157, %dma_start3A_220, %dma_start3A_221] : memref<5x40x128xf32, #tpu.memory_space<vmem>> -> memref<1x40x128xf32, #tpu.memory_space<vmem>>
        %dma_start3A_223 = tpu.memref_squeeze %dma_start3A_222 : memref<1x40x128xf32, #tpu.memory_space<vmem>> -> memref<40x128xf32, #tpu.memory_space<vmem>>
        %dma_start3A_224 = tpu.memref_slice %arg7[%mul3A_156] : memref<10000xi32, #tpu.memory_space<vmem>> -> memref<40xi32, #tpu.memory_space<vmem>>
        %dma_start3A_225 = arith.constant 0 : i32
        %dma_start3A_226 = arith.constant 0 : i32
        %dma_start3A_227 = tpu.memref_slice %arg9[%dma_start3A_225, %dma_start3A_226] : memref<10000x128xf32, #tpu.memory_space<vmem_shared>> -> memref<10000x128xf32, #tpu.memory_space<vmem_shared>>
        tpu.enqueue_indirect_dma source(%dma_start3A_223 : memref<40x128xf32, #tpu.memory_space<vmem>>) target(%dma_start3A_227 : memref<10000x128xf32, #tpu.memory_space<vmem_shared>>) offsets(%dma_start3A_224 : memref<40xi32, #tpu.memory_space<vmem>>) semaphore(%run_scoped3A_219 : memref<!tpu.dma_semaphore, #tpu.memory_space<semaphore_mem>>) {add = true}
        %dma_wait3A_228 = arith.constant 0 : i32
        %dma_wait3A_229 = arith.constant 0 : i32
        %dma_wait3A_230 = tpu.memref_slice %arg8[%run_scoped3A_157, %dma_wait3A_228, %dma_wait3A_229] : memref<5x40x128xf32, #tpu.memory_space<vmem>> -> memref<1x40x128xf32, #tpu.memory_space<vmem>>
        %dma_wait3A_231 = tpu.memref_squeeze %dma_wait3A_230 : memref<1x40x128xf32, #tpu.memory_space<vmem>> -> memref<40x128xf32, #tpu.memory_space<vmem>>
        %dma_wait3A_232 = tpu.memref_slice %arg7[%mul3A_156] : memref<10000xi32, #tpu.memory_space<vmem>> -> memref<40xi32, #tpu.memory_space<vmem>>
        %dma_wait3A_233 = arith.constant 0 : i32
        %dma_wait3A_234 = arith.constant 0 : i32
        %dma_wait3A_235 = tpu.memref_slice %arg9[%dma_wait3A_233, %dma_wait3A_234] : memref<10000x128xf32, #tpu.memory_space<vmem_shared>> -> memref<10000x128xf32, #tpu.memory_space<vmem_shared>>
        tpu.wait_indirect_dma semaphore(%run_scoped3A_219 : memref<!tpu.dma_semaphore, #tpu.memory_space<semaphore_mem>>) src(%dma_wait3A_231 : memref<40x128xf32, #tpu.memory_space<vmem>>) dst(%dma_wait3A_235 : memref<10000x128xf32, #tpu.memory_space<vmem_shared>>)
        tpu.yield
      }) : () -> ()
      %add3A_158 = arith.constant 5 : i32
      %add3A_159 = arith.addi %add3A_139, %add3A_158 : i32
      %lt3A_160 = arith.constant 250 : i32
      %lt3A_161 = arith.cmpi slt, %add3A_159, %lt3A_160 : i32
      %convert_element_type3A_162 = arith.extui %lt3A_161 : i1 to i32
      %cond3A_163 = arith.constant 0 : i32
      %cond3A_164 = arith.cmpi ne, %convert_element_type3A_162, %cond3A_163 : i32
      scf.if %cond3A_164 {
        %add3A_219 = arith.constant 5 : i32
        %add3A_220 = arith.addi %add3A_139, %add3A_219 : i32
        %mul3A_221 = arith.constant 40 : i32
        %mul3A_222 = arith.muli %add3A_220, %mul3A_221 : i32
        %dma_start3A_223 = arith.constant 2 : i32
        %dma_start3A_224 = arith.constant 0 : i32
        %dma_start3A_225 = arith.constant 0 : i32
        %dma_start3A_226 = tpu.memref_slice %arg8[%dma_start3A_223, %dma_start3A_224, %dma_start3A_225] : memref<5x40x128xf32, #tpu.memory_space<vmem>> -> memref<1x40x128xf32, #tpu.memory_space<vmem>>
        %dma_start3A_227 = tpu.memref_squeeze %dma_start3A_226 : memref<1x40x128xf32, #tpu.memory_space<vmem>> -> memref<40x128xf32, #tpu.memory_space<vmem>>
        %dma_start3A_228 = tpu.memref_slice %arg6[%mul3A_222] : memref<10000xi32, #tpu.memory_space<vmem>> -> memref<40xi32, #tpu.memory_space<vmem>>
        %dma_start3A_229 = arith.constant 0 : i32
        %dma_start3A_230 = arith.constant 0 : i32
        %dma_start3A_231 = tpu.memref_slice %arg2[%arg0, %dma_start3A_229, %dma_start3A_230] : memref<2x10000x128xf32, #tpu.memory_space<hbm>> -> memref<1x10000x128xf32, #tpu.memory_space<hbm>>
        %dma_start3A_232 = tpu.memref_squeeze %dma_start3A_231 : memref<1x10000x128xf32, #tpu.memory_space<hbm>> -> memref<10000x128xf32, #tpu.memory_space<hbm>>
        %dma_start3A_233 = arith.constant 0 : i32
        %dma_start3A_234 = arith.constant 0 : i32
        %dma_start3A_235 = tpu.memref_slice %dma_start3A_232[%dma_start3A_233, %dma_start3A_234] : memref<10000x128xf32, #tpu.memory_space<hbm>> -> memref<10000x128xf32, #tpu.memory_space<hbm>>
        tpu.enqueue_indirect_dma source(%dma_start3A_235 : memref<10000x128xf32, #tpu.memory_space<hbm>>) target(%dma_start3A_227 : memref<40x128xf32, #tpu.memory_space<vmem>>) offsets(%dma_start3A_228 : memref<40xi32, #tpu.memory_space<vmem>>) semaphore(%arg12 : memref<!tpu.dma_semaphore, #tpu.memory_space<semaphore_mem>>)
      } else {
      }
      %add3A_165 = arith.constant 3 : i32
      %add3A_166 = arith.addi %add3A_88, %add3A_165 : i32
      %mul3A_167 = arith.constant 40 : i32
      %mul3A_168 = arith.muli %add3A_166, %mul3A_167 : i32
      %dma_wait3A_169 = arith.constant 3 : i32
      %dma_wait3A_170 = arith.constant 0 : i32
      %dma_wait3A_171 = arith.constant 0 : i32
      %dma_wait3A_172 = tpu.memref_slice %arg8[%dma_wait3A_169, %dma_wait3A_170, %dma_wait3A_171] : memref<5x40x128xf32, #tpu.memory_space<vmem>> -> memref<1x40x128xf32, #tpu.memory_space<vmem>>
      %dma_wait3A_173 = tpu.memref_squeeze %dma_wait3A_172 : memref<1x40x128xf32, #tpu.memory_space<vmem>> -> memref<40x128xf32, #tpu.memory_space<vmem>>
      %dma_wait3A_174 = tpu.memref_slice %arg6[%mul3A_168] : memref<10000xi32, #tpu.memory_space<vmem>> -> memref<40xi32, #tpu.memory_space<vmem>>
      %dma_wait3A_175 = arith.constant 0 : i32
      %dma_wait3A_176 = arith.constant 0 : i32
      %dma_wait3A_177 = tpu.memref_slice %arg2[%arg0, %dma_wait3A_175, %dma_wait3A_176] : memref<2x10000x128xf32, #tpu.memory_space<hbm>> -> memref<1x10000x128xf32, #tpu.memory_space<hbm>>
      %dma_wait3A_178 = tpu.memref_squeeze %dma_wait3A_177 : memref<1x10000x128xf32, #tpu.memory_space<hbm>> -> memref<10000x128xf32, #tpu.memory_space<hbm>>
      %dma_wait3A_179 = arith.constant 0 : i32
      %dma_wait3A_180 = arith.constant 0 : i32
      %dma_wait3A_181 = tpu.memref_slice %dma_wait3A_178[%dma_wait3A_179, %dma_wait3A_180] : memref<10000x128xf32, #tpu.memory_space<hbm>> -> memref<10000x128xf32, #tpu.memory_space<hbm>>
      tpu.wait_indirect_dma semaphore(%arg13 : memref<!tpu.dma_semaphore, #tpu.memory_space<semaphore_mem>>) src(%dma_wait3A_181 : memref<10000x128xf32, #tpu.memory_space<hbm>>) dst(%dma_wait3A_173 : memref<40x128xf32, #tpu.memory_space<vmem>>)
      %mul3A_182 = arith.constant 40 : i32
      %mul3A_183 = arith.muli %add3A_166, %mul3A_182 : i32
      %run_scoped3A_184 = arith.constant 3 : i32
      "tpu.region"() ({
        %run_scoped3A_219 = tpu.sem_alloc : memref<!tpu.dma_semaphore, #tpu.memory_space<semaphore_mem>>
        %dma_start3A_220 = arith.constant 0 : i32
        %dma_start3A_221 = arith.constant 0 : i32
        %dma_start3A_222 = tpu.memref_slice %arg8[%run_scoped3A_184, %dma_start3A_220, %dma_start3A_221] : memref<5x40x128xf32, #tpu.memory_space<vmem>> -> memref<1x40x128xf32, #tpu.memory_space<vmem>>
        %dma_start3A_223 = tpu.memref_squeeze %dma_start3A_222 : memref<1x40x128xf32, #tpu.memory_space<vmem>> -> memref<40x128xf32, #tpu.memory_space<vmem>>
        %dma_start3A_224 = tpu.memref_slice %arg7[%mul3A_183] : memref<10000xi32, #tpu.memory_space<vmem>> -> memref<40xi32, #tpu.memory_space<vmem>>
        %dma_start3A_225 = arith.constant 0 : i32
        %dma_start3A_226 = arith.constant 0 : i32
        %dma_start3A_227 = tpu.memref_slice %arg9[%dma_start3A_225, %dma_start3A_226] : memref<10000x128xf32, #tpu.memory_space<vmem_shared>> -> memref<10000x128xf32, #tpu.memory_space<vmem_shared>>
        tpu.enqueue_indirect_dma source(%dma_start3A_223 : memref<40x128xf32, #tpu.memory_space<vmem>>) target(%dma_start3A_227 : memref<10000x128xf32, #tpu.memory_space<vmem_shared>>) offsets(%dma_start3A_224 : memref<40xi32, #tpu.memory_space<vmem>>) semaphore(%run_scoped3A_219 : memref<!tpu.dma_semaphore, #tpu.memory_space<semaphore_mem>>) {add = true}
        %dma_wait3A_228 = arith.constant 0 : i32
        %dma_wait3A_229 = arith.constant 0 : i32
        %dma_wait3A_230 = tpu.memref_slice %arg8[%run_scoped3A_184, %dma_wait3A_228, %dma_wait3A_229] : memref<5x40x128xf32, #tpu.memory_space<vmem>> -> memref<1x40x128xf32, #tpu.memory_space<vmem>>
        %dma_wait3A_231 = tpu.memref_squeeze %dma_wait3A_230 : memref<1x40x128xf32, #tpu.memory_space<vmem>> -> memref<40x128xf32, #tpu.memory_space<vmem>>
        %dma_wait3A_232 = tpu.memref_slice %arg7[%mul3A_183] : memref<10000xi32, #tpu.memory_space<vmem>> -> memref<40xi32, #tpu.memory_space<vmem>>
        %dma_wait3A_233 = arith.constant 0 : i32
        %dma_wait3A_234 = arith.constant 0 : i32
        %dma_wait3A_235 = tpu.memref_slice %arg9[%dma_wait3A_233, %dma_wait3A_234] : memref<10000x128xf32, #tpu.memory_space<vmem_shared>> -> memref<10000x128xf32, #tpu.memory_space<vmem_shared>>
        tpu.wait_indirect_dma semaphore(%run_scoped3A_219 : memref<!tpu.dma_semaphore, #tpu.memory_space<semaphore_mem>>) src(%dma_wait3A_231 : memref<40x128xf32, #tpu.memory_space<vmem>>) dst(%dma_wait3A_235 : memref<10000x128xf32, #tpu.memory_space<vmem_shared>>)
        tpu.yield
      }) : () -> ()
      %add3A_185 = arith.constant 5 : i32
      %add3A_186 = arith.addi %add3A_166, %add3A_185 : i32
      %lt3A_187 = arith.constant 250 : i32
      %lt3A_188 = arith.cmpi slt, %add3A_186, %lt3A_187 : i32
      %convert_element_type3A_189 = arith.extui %lt3A_188 : i1 to i32
      %cond3A_190 = arith.constant 0 : i32
      %cond3A_191 = arith.cmpi ne, %convert_element_type3A_189, %cond3A_190 : i32
      scf.if %cond3A_191 {
        %add3A_219 = arith.constant 5 : i32
        %add3A_220 = arith.addi %add3A_166, %add3A_219 : i32
        %mul3A_221 = arith.constant 40 : i32
        %mul3A_222 = arith.muli %add3A_220, %mul3A_221 : i32
        %dma_start3A_223 = arith.constant 3 : i32
        %dma_start3A_224 = arith.constant 0 : i32
        %dma_start3A_225 = arith.constant 0 : i32
        %dma_start3A_226 = tpu.memref_slice %arg8[%dma_start3A_223, %dma_start3A_224, %dma_start3A_225] : memref<5x40x128xf32, #tpu.memory_space<vmem>> -> memref<1x40x128xf32, #tpu.memory_space<vmem>>
        %dma_start3A_227 = tpu.memref_squeeze %dma_start3A_226 : memref<1x40x128xf32, #tpu.memory_space<vmem>> -> memref<40x128xf32, #tpu.memory_space<vmem>>
        %dma_start3A_228 = tpu.memref_slice %arg6[%mul3A_222] : memref<10000xi32, #tpu.memory_space<vmem>> -> memref<40xi32, #tpu.memory_space<vmem>>
        %dma_start3A_229 = arith.constant 0 : i32
        %dma_start3A_230 = arith.constant 0 : i32
        %dma_start3A_231 = tpu.memref_slice %arg2[%arg0, %dma_start3A_229, %dma_start3A_230] : memref<2x10000x128xf32, #tpu.memory_space<hbm>> -> memref<1x10000x128xf32, #tpu.memory_space<hbm>>
        %dma_start3A_232 = tpu.memref_squeeze %dma_start3A_231 : memref<1x10000x128xf32, #tpu.memory_space<hbm>> -> memref<10000x128xf32, #tpu.memory_space<hbm>>
        %dma_start3A_233 = arith.constant 0 : i32
        %dma_start3A_234 = arith.constant 0 : i32
        %dma_start3A_235 = tpu.memref_slice %dma_start3A_232[%dma_start3A_233, %dma_start3A_234] : memref<10000x128xf32, #tpu.memory_space<hbm>> -> memref<10000x128xf32, #tpu.memory_space<hbm>>
        tpu.enqueue_indirect_dma source(%dma_start3A_235 : memref<10000x128xf32, #tpu.memory_space<hbm>>) target(%dma_start3A_227 : memref<40x128xf32, #tpu.memory_space<vmem>>) offsets(%dma_start3A_228 : memref<40xi32, #tpu.memory_space<vmem>>) semaphore(%arg13 : memref<!tpu.dma_semaphore, #tpu.memory_space<semaphore_mem>>)
      } else {
      }
      %add3A_192 = arith.constant 4 : i32
      %add3A_193 = arith.addi %add3A_88, %add3A_192 : i32
      %mul3A_194 = arith.constant 40 : i32
      %mul3A_195 = arith.muli %add3A_193, %mul3A_194 : i32
      %dma_wait3A_196 = arith.constant 4 : i32
      %dma_wait3A_197 = arith.constant 0 : i32
      %dma_wait3A_198 = arith.constant 0 : i32
      %dma_wait3A_199 = tpu.memref_slice %arg8[%dma_wait3A_196, %dma_wait3A_197, %dma_wait3A_198] : memref<5x40x128xf32, #tpu.memory_space<vmem>> -> memref<1x40x128xf32, #tpu.memory_space<vmem>>
      %dma_wait3A_200 = tpu.memref_squeeze %dma_wait3A_199 : memref<1x40x128xf32, #tpu.memory_space<vmem>> -> memref<40x128xf32, #tpu.memory_space<vmem>>
      %dma_wait3A_201 = tpu.memref_slice %arg6[%mul3A_195] : memref<10000xi32, #tpu.memory_space<vmem>> -> memref<40xi32, #tpu.memory_space<vmem>>
      %dma_wait3A_202 = arith.constant 0 : i32
      %dma_wait3A_203 = arith.constant 0 : i32
      %dma_wait3A_204 = tpu.memref_slice %arg2[%arg0, %dma_wait3A_202, %dma_wait3A_203] : memref<2x10000x128xf32, #tpu.memory_space<hbm>> -> memref<1x10000x128xf32, #tpu.memory_space<hbm>>
      %dma_wait3A_205 = tpu.memref_squeeze %dma_wait3A_204 : memref<1x10000x128xf32, #tpu.memory_space<hbm>> -> memref<10000x128xf32, #tpu.memory_space<hbm>>
      %dma_wait3A_206 = arith.constant 0 : i32
      %dma_wait3A_207 = arith.constant 0 : i32
      %dma_wait3A_208 = tpu.memref_slice %dma_wait3A_205[%dma_wait3A_206, %dma_wait3A_207] : memref<10000x128xf32, #tpu.memory_space<hbm>> -> memref<10000x128xf32, #tpu.memory_space<hbm>>
      tpu.wait_indirect_dma semaphore(%arg14 : memref<!tpu.dma_semaphore, #tpu.memory_space<semaphore_mem>>) src(%dma_wait3A_208 : memref<10000x128xf32, #tpu.memory_space<hbm>>) dst(%dma_wait3A_200 : memref<40x128xf32, #tpu.memory_space<vmem>>)
      %mul3A_209 = arith.constant 40 : i32
      %mul3A_210 = arith.muli %add3A_193, %mul3A_209 : i32
      %run_scoped3A_211 = arith.constant 4 : i32
      "tpu.region"() ({
        %run_scoped3A_219 = tpu.sem_alloc : memref<!tpu.dma_semaphore, #tpu.memory_space<semaphore_mem>>
        %dma_start3A_220 = arith.constant 0 : i32
        %dma_start3A_221 = arith.constant 0 : i32
        %dma_start3A_222 = tpu.memref_slice %arg8[%run_scoped3A_211, %dma_start3A_220, %dma_start3A_221] : memref<5x40x128xf32, #tpu.memory_space<vmem>> -> memref<1x40x128xf32, #tpu.memory_space<vmem>>
        %dma_start3A_223 = tpu.memref_squeeze %dma_start3A_222 : memref<1x40x128xf32, #tpu.memory_space<vmem>> -> memref<40x128xf32, #tpu.memory_space<vmem>>
        %dma_start3A_224 = tpu.memref_slice %arg7[%mul3A_210] : memref<10000xi32, #tpu.memory_space<vmem>> -> memref<40xi32, #tpu.memory_space<vmem>>
        %dma_start3A_225 = arith.constant 0 : i32
        %dma_start3A_226 = arith.constant 0 : i32
        %dma_start3A_227 = tpu.memref_slice %arg9[%dma_start3A_225, %dma_start3A_226] : memref<10000x128xf32, #tpu.memory_space<vmem_shared>> -> memref<10000x128xf32, #tpu.memory_space<vmem_shared>>
        tpu.enqueue_indirect_dma source(%dma_start3A_223 : memref<40x128xf32, #tpu.memory_space<vmem>>) target(%dma_start3A_227 : memref<10000x128xf32, #tpu.memory_space<vmem_shared>>) offsets(%dma_start3A_224 : memref<40xi32, #tpu.memory_space<vmem>>) semaphore(%run_scoped3A_219 : memref<!tpu.dma_semaphore, #tpu.memory_space<semaphore_mem>>) {add = true}
        %dma_wait3A_228 = arith.constant 0 : i32
        %dma_wait3A_229 = arith.constant 0 : i32
        %dma_wait3A_230 = tpu.memref_slice %arg8[%run_scoped3A_211, %dma_wait3A_228, %dma_wait3A_229] : memref<5x40x128xf32, #tpu.memory_space<vmem>> -> memref<1x40x128xf32, #tpu.memory_space<vmem>>
        %dma_wait3A_231 = tpu.memref_squeeze %dma_wait3A_230 : memref<1x40x128xf32, #tpu.memory_space<vmem>> -> memref<40x128xf32, #tpu.memory_space<vmem>>
        %dma_wait3A_232 = tpu.memref_slice %arg7[%mul3A_210] : memref<10000xi32, #tpu.memory_space<vmem>> -> memref<40xi32, #tpu.memory_space<vmem>>
        %dma_wait3A_233 = arith.constant 0 : i32
        %dma_wait3A_234 = arith.constant 0 : i32
        %dma_wait3A_235 = tpu.memref_slice %arg9[%dma_wait3A_233, %dma_wait3A_234] : memref<10000x128xf32, #tpu.memory_space<vmem_shared>> -> memref<10000x128xf32, #tpu.memory_space<vmem_shared>>
        tpu.wait_indirect_dma semaphore(%run_scoped3A_219 : memref<!tpu.dma_semaphore, #tpu.memory_space<semaphore_mem>>) src(%dma_wait3A_231 : memref<40x128xf32, #tpu.memory_space<vmem>>) dst(%dma_wait3A_235 : memref<10000x128xf32, #tpu.memory_space<vmem_shared>>)
        tpu.yield
      }) : () -> ()
      %add3A_212 = arith.constant 5 : i32
      %add3A_213 = arith.addi %add3A_193, %add3A_212 : i32
      %lt3A_214 = arith.constant 250 : i32
      %lt3A_215 = arith.cmpi slt, %add3A_213, %lt3A_214 : i32
      %convert_element_type3A_216 = arith.extui %lt3A_215 : i1 to i32
      %cond3A_217 = arith.constant 0 : i32
      %cond3A_218 = arith.cmpi ne, %convert_element_type3A_216, %cond3A_217 : i32
      scf.if %cond3A_218 {
        %add3A_219 = arith.constant 5 : i32
        %add3A_220 = arith.addi %add3A_193, %add3A_219 : i32
        %mul3A_221 = arith.constant 40 : i32
        %mul3A_222 = arith.muli %add3A_220, %mul3A_221 : i32
        %dma_start3A_223 = arith.constant 4 : i32
        %dma_start3A_224 = arith.constant 0 : i32
        %dma_start3A_225 = arith.constant 0 : i32
        %dma_start3A_226 = tpu.memref_slice %arg8[%dma_start3A_223, %dma_start3A_224, %dma_start3A_225] : memref<5x40x128xf32, #tpu.memory_space<vmem>> -> memref<1x40x128xf32, #tpu.memory_space<vmem>>
        %dma_start3A_227 = tpu.memref_squeeze %dma_start3A_226 : memref<1x40x128xf32, #tpu.memory_space<vmem>> -> memref<40x128xf32, #tpu.memory_space<vmem>>
        %dma_start3A_228 = tpu.memref_slice %arg6[%mul3A_222] : memref<10000xi32, #tpu.memory_space<vmem>> -> memref<40xi32, #tpu.memory_space<vmem>>
        %dma_start3A_229 = arith.constant 0 : i32
        %dma_start3A_230 = arith.constant 0 : i32
        %dma_start3A_231 = tpu.memref_slice %arg2[%arg0, %dma_start3A_229, %dma_start3A_230] : memref<2x10000x128xf32, #tpu.memory_space<hbm>> -> memref<1x10000x128xf32, #tpu.memory_space<hbm>>
        %dma_start3A_232 = tpu.memref_squeeze %dma_start3A_231 : memref<1x10000x128xf32, #tpu.memory_space<hbm>> -> memref<10000x128xf32, #tpu.memory_space<hbm>>
        %dma_start3A_233 = arith.constant 0 : i32
        %dma_start3A_234 = arith.constant 0 : i32
        %dma_start3A_235 = tpu.memref_slice %dma_start3A_232[%dma_start3A_233, %dma_start3A_234] : memref<10000x128xf32, #tpu.memory_space<hbm>> -> memref<10000x128xf32, #tpu.memory_space<hbm>>
        tpu.enqueue_indirect_dma source(%dma_start3A_235 : memref<10000x128xf32, #tpu.memory_space<hbm>>) target(%dma_start3A_227 : memref<40x128xf32, #tpu.memory_space<vmem>>) offsets(%dma_start3A_228 : memref<40xi32, #tpu.memory_space<vmem>>) semaphore(%arg14 : memref<!tpu.dma_semaphore, #tpu.memory_space<semaphore_mem>>)
      } else {
      }
    }
    %scan3A_79 = arith.constant 50 : i32
    %barrier3A_80 = arith.constant 0 : index
    tpu.barrier barrier_id(%barrier3A_80)
    %mul3A_81 = arith.constant 625 : i32
    %mul3A_82 = arith.muli %arg1, %mul3A_81 : i32
    %mul3A_83 = arith.constant 625 : i32
    %mul3A_84 = arith.muli %arg1, %mul3A_83 : i32
    "tpu.region"() ({
      %run_scoped3A = tpu.sem_alloc : memref<!tpu.dma_semaphore, #tpu.memory_space<semaphore_mem>>
      %dma_start3A_85 = arith.constant 0 : i32
      %dma_start3A_86 = arith.constant 0 : i32
      %dma_start3A_87 = tpu.memref_slice %arg5[%arg0, %dma_start3A_85, %dma_start3A_86] : memref<2x10000x128xf32, #tpu.memory_space<hbm>> -> memref<1x10000x128xf32, #tpu.memory_space<hbm>>
      %dma_start3A_88 = tpu.memref_squeeze %dma_start3A_87 : memref<1x10000x128xf32, #tpu.memory_space<hbm>> -> memref<10000x128xf32, #tpu.memory_space<hbm>>
      %dma_start3A_89 = arith.constant 0 : i32
      %dma_start3A_90 = tpu.memref_slice %dma_start3A_88[%mul3A_84, %dma_start3A_89] : memref<10000x128xf32, #tpu.memory_space<hbm>> -> memref<625x128xf32, #tpu.memory_space<hbm>>
      %dma_start3A_91 = arith.constant 0 : i32
      %dma_start3A_92 = tpu.memref_slice %arg9[%mul3A_82, %dma_start3A_91] : memref<10000x128xf32, #tpu.memory_space<vmem_shared>> -> memref<625x128xf32, #tpu.memory_space<vmem_shared>>
      tpu.enqueue_dma source(%dma_start3A_92 : memref<625x128xf32, #tpu.memory_space<vmem_shared>>) target(%dma_start3A_90 : memref<625x128xf32, #tpu.memory_space<hbm>>) target_semaphore(%run_scoped3A : memref<!tpu.dma_semaphore, #tpu.memory_space<semaphore_mem>>)
      %dma_wait3A = arith.constant 0 : i32
      %dma_wait3A_93 = arith.constant 0 : i32
      %dma_wait3A_94 = tpu.memref_slice %arg5[%arg0, %dma_wait3A, %dma_wait3A_93] : memref<2x10000x128xf32, #tpu.memory_space<hbm>> -> memref<1x10000x128xf32, #tpu.memory_space<hbm>>
      %dma_wait3A_95 = tpu.memref_squeeze %dma_wait3A_94 : memref<1x10000x128xf32, #tpu.memory_space<hbm>> -> memref<10000x128xf32, #tpu.memory_space<hbm>>
      %dma_wait3A_96 = arith.constant 0 : i32
      %dma_wait3A_97 = tpu.memref_slice %dma_wait3A_95[%mul3A_84, %dma_wait3A_96] : memref<10000x128xf32, #tpu.memory_space<hbm>> -> memref<625x128xf32, #tpu.memory_space<hbm>>
      %dma_wait3A_98 = arith.constant 0 : i32
      %dma_wait3A_99 = tpu.memref_slice %arg9[%mul3A_82, %dma_wait3A_98] : memref<10000x128xf32, #tpu.memory_space<vmem_shared>> -> memref<625x128xf32, #tpu.memory_space<vmem_shared>>
      tpu.wait_dma2 semaphore(%run_scoped3A : memref<!tpu.dma_semaphore, #tpu.memory_space<semaphore_mem>>) src(%dma_wait3A_99 : memref<625x128xf32, #tpu.memory_space<vmem_shared>>) dst(%dma_wait3A_97 : memref<625x128xf32, #tpu.memory_space<hbm>>)
      tpu.yield
    }) : () -> ()
    return
  }
}

#map = affine_map<(d0, d1) -> (0)>
#map1 = affine_map<(d0, d1) -> (0, 0)>
module attributes {stable_mosaic.version = 14 : i64} {
  func.func @_deg_body(%arg0: i32, %arg1: i32, %arg2: memref<160000xi32, #tpu.memory_space<hbm>>, %arg3: memref<10240xf32, #tpu.memory_space<hbm>>, %arg4: memref<32x10240xf32, #tpu.memory_space<hbm>>, %arg5: memref<5008xi32, #tpu.memory_space<vmem>>, %arg6: memref<10240xf32, #tpu.memory_space<vmem>>) attributes {dimension_semantics = [#tpu.dimension_semantics<core_parallel>, #tpu.dimension_semantics<subcore_parallel>], iteration_bounds = array<i64: 2, 16>, scalar_prefetch = 0 : i64, scratch_operands = 2 : i64, tpu.core_type = #tpu.core_type<sc_vector_subcore>, window_params = [{transform_indices = #map}, {transform_indices = #map}, {transform_indices = #map1}]} {
    %mul3A = arith.constant 16 : i32
    %mul3A_0 = arith.muli %arg0, %mul3A : i32
    %add3A = arith.addi %mul3A_0, %arg1 : i32
    "tpu.region"() ({
      %run_scoped3A = tpu.sem_alloc : memref<!tpu.dma_semaphore, #tpu.memory_space<semaphore_mem>>
      tpu.enqueue_dma source(%arg3 : memref<10240xf32, #tpu.memory_space<hbm>>) target(%arg6 : memref<10240xf32, #tpu.memory_space<vmem>>) target_semaphore(%run_scoped3A : memref<!tpu.dma_semaphore, #tpu.memory_space<semaphore_mem>>)
      tpu.wait_dma2 semaphore(%run_scoped3A : memref<!tpu.dma_semaphore, #tpu.memory_space<semaphore_mem>>) src(%arg3 : memref<10240xf32, #tpu.memory_space<hbm>>) dst(%arg6 : memref<10240xf32, #tpu.memory_space<vmem>>)
      tpu.yield
    }) : () -> ()
    %broadcast_in_dim3A = arith.constant 0 : i32
    %broadcast_in_dim3A_1 = vector.broadcast %broadcast_in_dim3A : i32 to vector<16xi32>
    %swap3A = arith.constant 4992 : index
    %swap3A_2 = tpu.vector_load %arg5[%swap3A] {strides = array<i32>} : memref<5008xi32, #tpu.memory_space<vmem>>, vector<16xi32>,
    tpu.vector_store %arg5[%swap3A], %broadcast_in_dim3A_1 {strides = array<i32>} : memref<5008xi32, #tpu.memory_space<vmem>>, vector<16xi32>,
    %mul3A_3 = arith.constant 5000 : i32
    %mul3A_4 = arith.muli %add3A, %mul3A_3 : i32
    "tpu.region"() ({
      %run_scoped3A = tpu.sem_alloc : memref<!tpu.dma_semaphore, #tpu.memory_space<semaphore_mem>>
      %dma_start3A = arith.constant 0 : i32
      %dma_start3A_11 = tpu.memref_slice %arg5[%dma_start3A] : memref<5008xi32, #tpu.memory_space<vmem>> -> memref<5000xi32, #tpu.memory_space<vmem>>
      %dma_start3A_12 = tpu.memref_slice %arg2[%mul3A_4] : memref<160000xi32, #tpu.memory_space<hbm>> -> memref<5000xi32, #tpu.memory_space<hbm>>
      %dma_start3A_13 = arith.constant 0 : i32
      %dma_start3A_14 = tpu.memref_slice %arg5[%dma_start3A_13] : memref<5008xi32, #tpu.memory_space<vmem>> -> memref<5000xi32, #tpu.memory_space<vmem>>
      %dma_start3A_15 = tpu.memref_slice %arg2[%mul3A_4] : memref<160000xi32, #tpu.memory_space<hbm>> -> memref<5000xi32, #tpu.memory_space<hbm>>
      tpu.enqueue_dma source(%dma_start3A_15 : memref<5000xi32, #tpu.memory_space<hbm>>) target(%dma_start3A_14 : memref<5000xi32, #tpu.memory_space<vmem>>) target_semaphore(%run_scoped3A : memref<!tpu.dma_semaphore, #tpu.memory_space<semaphore_mem>>)
      %dma_wait3A = arith.constant 0 : i32
      %dma_wait3A_16 = tpu.memref_slice %arg5[%dma_wait3A] : memref<5008xi32, #tpu.memory_space<vmem>> -> memref<5000xi32, #tpu.memory_space<vmem>>
      %dma_wait3A_17 = tpu.memref_slice %arg2[%mul3A_4] : memref<160000xi32, #tpu.memory_space<hbm>> -> memref<5000xi32, #tpu.memory_space<hbm>>
      %dma_wait3A_18 = arith.constant 0 : i32
      %dma_wait3A_19 = tpu.memref_slice %arg5[%dma_wait3A_18] : memref<5008xi32, #tpu.memory_space<vmem>> -> memref<5000xi32, #tpu.memory_space<vmem>>
      %dma_wait3A_20 = tpu.memref_slice %arg2[%mul3A_4] : memref<160000xi32, #tpu.memory_space<hbm>> -> memref<5000xi32, #tpu.memory_space<hbm>>
      tpu.wait_dma2 semaphore(%run_scoped3A : memref<!tpu.dma_semaphore, #tpu.memory_space<semaphore_mem>>) src(%dma_wait3A_20 : memref<5000xi32, #tpu.memory_space<hbm>>) dst(%dma_wait3A_19 : memref<5000xi32, #tpu.memory_space<vmem>>)
      tpu.yield
    }) : () -> ()
    %broadcast_in_dim3A_5 = arith.constant 1.000000e+00 : f32
    %broadcast_in_dim3A_6 = vector.broadcast %broadcast_in_dim3A_5 : f32 to vector<16xf32>
    %iota3A = tpu.iota {dimensions = array<i32: 0>} : vector<16xi32>
    %scan3A = arith.constant 0 : i32
    %scan3A_7 = arith.constant 313 : i32
    %scan3A_8 = arith.addi %scan3A, %scan3A_7 : i32
    %scan3A_9 = arith.constant 1 : i32
    scf.for %scan3A_11 = %scan3A to %scan3A_8 step %scan3A_9  : i32 {
      %mul3A_12 = arith.constant 1 : i32
      %mul3A_13 = arith.muli %scan3A_11, %mul3A_12 : i32
      %add3A_14 = arith.constant 0 : i32
      %add3A_15 = arith.addi %add3A_14, %mul3A_13 : i32
      %mul3A_16 = arith.constant 16 : i32
      %mul3A_17 = arith.muli %add3A_15, %mul3A_16 : i32
      %get3A = arith.index_cast %mul3A_17 : i32 to index
      %get3A_18 = tpu.vector_load %arg5[%get3A] {strides = array<i32>} : memref<5008xi32, #tpu.memory_space<vmem>>, vector<16xi32>,
      %mul3A_19 = arith.constant 16 : i32
      %mul3A_20 = arith.muli %add3A_15, %mul3A_19 : i32
      %add3A_21 = vector.broadcast %mul3A_20 : i32 to vector<16xi32>
      %add3A_22 = arith.addi %add3A_21, %iota3A : vector<16xi32>
      %lt3A = arith.constant 5000 : i32
      %lt3A_23 = vector.broadcast %lt3A : i32 to vector<16xi32>
      %lt3A_24 = arith.cmpi slt, %add3A_22, %lt3A_23 : vector<16xi32>
      tpu.vector_store_idx %arg6[%get3A_18], %broadcast_in_dim3A_6 masked %lt3A_24 {add = true} : memref<10240xf32, #tpu.memory_space<vmem>>[vector<16xi32>], vector<16xf32>, vector<16xi1>
    }
    %scan3A_10 = arith.constant 313 : i32
    "tpu.region"() ({
      %run_scoped3A = tpu.sem_alloc : memref<!tpu.dma_semaphore, #tpu.memory_space<semaphore_mem>>
      %dma_start3A = arith.constant 0 : i32
      %dma_start3A_11 = tpu.memref_slice %arg4[%add3A, %dma_start3A] : memref<32x10240xf32, #tpu.memory_space<hbm>> -> memref<1x10240xf32, #tpu.memory_space<hbm>>
      %dma_start3A_12 = tpu.memref_squeeze %dma_start3A_11 : memref<1x10240xf32, #tpu.memory_space<hbm>> -> memref<10240xf32, #tpu.memory_space<hbm>>
      %dma_start3A_13 = arith.constant 0 : i32
      %dma_start3A_14 = tpu.memref_slice %arg4[%add3A, %dma_start3A_13] : memref<32x10240xf32, #tpu.memory_space<hbm>> -> memref<1x10240xf32, #tpu.memory_space<hbm>>
      %dma_start3A_15 = tpu.memref_squeeze %dma_start3A_14 : memref<1x10240xf32, #tpu.memory_space<hbm>> -> memref<10240xf32, #tpu.memory_space<hbm>>
      tpu.enqueue_dma source(%arg6 : memref<10240xf32, #tpu.memory_space<vmem>>) target(%dma_start3A_15 : memref<10240xf32, #tpu.memory_space<hbm>>) target_semaphore(%run_scoped3A : memref<!tpu.dma_semaphore, #tpu.memory_space<semaphore_mem>>)
      %dma_wait3A = arith.constant 0 : i32
      %dma_wait3A_16 = tpu.memref_slice %arg4[%add3A, %dma_wait3A] : memref<32x10240xf32, #tpu.memory_space<hbm>> -> memref<1x10240xf32, #tpu.memory_space<hbm>>
      %dma_wait3A_17 = tpu.memref_squeeze %dma_wait3A_16 : memref<1x10240xf32, #tpu.memory_space<hbm>> -> memref<10240xf32, #tpu.memory_space<hbm>>
      %dma_wait3A_18 = arith.constant 0 : i32
      %dma_wait3A_19 = tpu.memref_slice %arg4[%add3A, %dma_wait3A_18] : memref<32x10240xf32, #tpu.memory_space<hbm>> -> memref<1x10240xf32, #tpu.memory_space<hbm>>
      %dma_wait3A_20 = tpu.memref_squeeze %dma_wait3A_19 : memref<1x10240xf32, #tpu.memory_space<hbm>> -> memref<10240xf32, #tpu.memory_space<hbm>>
      tpu.wait_dma2 semaphore(%run_scoped3A : memref<!tpu.dma_semaphore, #tpu.memory_space<semaphore_mem>>) src(%arg6 : memref<10240xf32, #tpu.memory_space<vmem>>) dst(%dma_wait3A_20 : memref<10240xf32, #tpu.memory_space<hbm>>)
      tpu.yield
    }) : () -> ()
    return
  }
}

#map = affine_map<(d0, d1) -> (0, 0, 0)>
#map1 = affine_map<(d0, d1) -> (0)>
module attributes {stable_mosaic.version = 14 : i64} {
  func.func @body(%arg0: i32, %arg1: i32, %arg2: memref<2x10000x32xf32, #tpu.memory_space<hbm>>, %arg3: memref<160000xi32, #tpu.memory_space<hbm>>, %arg4: memref<160000xi32, #tpu.memory_space<hbm>>, %arg5: memref<2x10000x32xf32, #tpu.memory_space<hbm>>, %arg6: memref<10000xi32, #tpu.memory_space<vmem>>, %arg7: memref<10000xi32, #tpu.memory_space<vmem>>, %arg8: memref<5x80x32xf32, #tpu.memory_space<vmem>>, %arg9: memref<10000x32xf32, #tpu.memory_space<vmem_shared>>, %arg10: memref<!tpu.dma_semaphore, #tpu.memory_space<semaphore_mem>>, %arg11: memref<!tpu.dma_semaphore, #tpu.memory_space<semaphore_mem>>, %arg12: memref<!tpu.dma_semaphore, #tpu.memory_space<semaphore_mem>>, %arg13: memref<!tpu.dma_semaphore, #tpu.memory_space<semaphore_mem>>, %arg14: memref<!tpu.dma_semaphore, #tpu.memory_space<semaphore_mem>>) attributes {dimension_semantics = [#tpu.dimension_semantics<core_parallel>, #tpu.dimension_semantics<subcore_parallel>], iteration_bounds = array<i64: 2, 16>, scalar_prefetch = 0 : i64, scratch_operands = 9 : i64, tpu.core_type = #tpu.core_type<sc_vector_subcore>, window_params = [{transform_indices = #map}, {transform_indices = #map1}, {transform_indices = #map1}, {transform_indices = #map}]} {
    %mul3A = arith.constant 625 : i32
    %mul3A_0 = arith.muli %arg1, %mul3A : i32
    %mul3A_1 = arith.constant 625 : i32
    %mul3A_2 = arith.muli %arg1, %mul3A_1 : i32
    "tpu.region"() ({
      %run_scoped3A = tpu.sem_alloc : memref<!tpu.dma_semaphore, #tpu.memory_space<semaphore_mem>>
      %dma_start3A_85 = arith.constant 0 : i32
      %dma_start3A_86 = tpu.memref_slice %arg9[%mul3A_2, %dma_start3A_85] : memref<10000x32xf32, #tpu.memory_space<vmem_shared>> -> memref<625x32xf32, #tpu.memory_space<vmem_shared>>
      %dma_start3A_87 = arith.constant 0 : i32
      %dma_start3A_88 = arith.constant 0 : i32
      %dma_start3A_89 = tpu.memref_slice %arg2[%arg0, %dma_start3A_87, %dma_start3A_88] : memref<2x10000x32xf32, #tpu.memory_space<hbm>> -> memref<1x10000x32xf32, #tpu.memory_space<hbm>>
      %dma_start3A_90 = tpu.memref_squeeze %dma_start3A_89 : memref<1x10000x32xf32, #tpu.memory_space<hbm>> -> memref<10000x32xf32, #tpu.memory_space<hbm>>
      %dma_start3A_91 = arith.constant 0 : i32
      %dma_start3A_92 = tpu.memref_slice %dma_start3A_90[%mul3A_0, %dma_start3A_91] : memref<10000x32xf32, #tpu.memory_space<hbm>> -> memref<625x32xf32, #tpu.memory_space<hbm>>
      tpu.enqueue_dma source(%dma_start3A_92 : memref<625x32xf32, #tpu.memory_space<hbm>>) target(%dma_start3A_86 : memref<625x32xf32, #tpu.memory_space<vmem_shared>>) target_semaphore(%run_scoped3A : memref<!tpu.dma_semaphore, #tpu.memory_space<semaphore_mem>>)
      %dma_wait3A = arith.constant 0 : i32
      %dma_wait3A_93 = tpu.memref_slice %arg9[%mul3A_2, %dma_wait3A] : memref<10000x32xf32, #tpu.memory_space<vmem_shared>> -> memref<625x32xf32, #tpu.memory_space<vmem_shared>>
      %dma_wait3A_94 = arith.constant 0 : i32
      %dma_wait3A_95 = arith.constant 0 : i32
      %dma_wait3A_96 = tpu.memref_slice %arg2[%arg0, %dma_wait3A_94, %dma_wait3A_95] : memref<2x10000x32xf32, #tpu.memory_space<hbm>> -> memref<1x10000x32xf32, #tpu.memory_space<hbm>>
      %dma_wait3A_97 = tpu.memref_squeeze %dma_wait3A_96 : memref<1x10000x32xf32, #tpu.memory_space<hbm>> -> memref<10000x32xf32, #tpu.memory_space<hbm>>
      %dma_wait3A_98 = arith.constant 0 : i32
      %dma_wait3A_99 = tpu.memref_slice %dma_wait3A_97[%mul3A_0, %dma_wait3A_98] : memref<10000x32xf32, #tpu.memory_space<hbm>> -> memref<625x32xf32, #tpu.memory_space<hbm>>
      tpu.wait_dma2 semaphore(%run_scoped3A : memref<!tpu.dma_semaphore, #tpu.memory_space<semaphore_mem>>) src(%dma_wait3A_99 : memref<625x32xf32, #tpu.memory_space<hbm>>) dst(%dma_wait3A_93 : memref<625x32xf32, #tpu.memory_space<vmem_shared>>)
      tpu.yield
    }) : () -> ()
    %mul3A_3 = arith.constant 10000 : i32
    %mul3A_4 = arith.muli %arg1, %mul3A_3 : i32
    "tpu.region"() ({
      %run_scoped3A = tpu.sem_alloc : memref<!tpu.dma_semaphore, #tpu.memory_space<semaphore_mem>>
      %dma_start3A_85 = tpu.memref_slice %arg3[%mul3A_4] : memref<160000xi32, #tpu.memory_space<hbm>> -> memref<10000xi32, #tpu.memory_space<hbm>>
      %dma_start3A_86 = tpu.memref_slice %arg3[%mul3A_4] : memref<160000xi32, #tpu.memory_space<hbm>> -> memref<10000xi32, #tpu.memory_space<hbm>>
      tpu.enqueue_dma source(%dma_start3A_86 : memref<10000xi32, #tpu.memory_space<hbm>>) target(%arg6 : memref<10000xi32, #tpu.memory_space<vmem>>) target_semaphore(%run_scoped3A : memref<!tpu.dma_semaphore, #tpu.memory_space<semaphore_mem>>)
      %dma_wait3A = tpu.memref_slice %arg3[%mul3A_4] : memref<160000xi32, #tpu.memory_space<hbm>> -> memref<10000xi32, #tpu.memory_space<hbm>>
      %dma_wait3A_87 = tpu.memref_slice %arg3[%mul3A_4] : memref<160000xi32, #tpu.memory_space<hbm>> -> memref<10000xi32, #tpu.memory_space<hbm>>
      tpu.wait_dma2 semaphore(%run_scoped3A : memref<!tpu.dma_semaphore, #tpu.memory_space<semaphore_mem>>) src(%dma_wait3A_87 : memref<10000xi32, #tpu.memory_space<hbm>>) dst(%arg6 : memref<10000xi32, #tpu.memory_space<vmem>>)
      tpu.yield
    }) : () -> ()
    %mul3A_5 = arith.constant 10000 : i32
    %mul3A_6 = arith.muli %arg1, %mul3A_5 : i32
    "tpu.region"() ({
      %run_scoped3A = tpu.sem_alloc : memref<!tpu.dma_semaphore, #tpu.memory_space<semaphore_mem>>
      %dma_start3A_85 = tpu.memref_slice %arg4[%mul3A_6] : memref<160000xi32, #tpu.memory_space<hbm>> -> memref<10000xi32, #tpu.memory_space<hbm>>
      %dma_start3A_86 = tpu.memref_slice %arg4[%mul3A_6] : memref<160000xi32, #tpu.memory_space<hbm>> -> memref<10000xi32, #tpu.memory_space<hbm>>
      tpu.enqueue_dma source(%dma_start3A_86 : memref<10000xi32, #tpu.memory_space<hbm>>) target(%arg7 : memref<10000xi32, #tpu.memory_space<vmem>>) target_semaphore(%run_scoped3A : memref<!tpu.dma_semaphore, #tpu.memory_space<semaphore_mem>>)
      %dma_wait3A = tpu.memref_slice %arg4[%mul3A_6] : memref<160000xi32, #tpu.memory_space<hbm>> -> memref<10000xi32, #tpu.memory_space<hbm>>
      %dma_wait3A_87 = tpu.memref_slice %arg4[%mul3A_6] : memref<160000xi32, #tpu.memory_space<hbm>> -> memref<10000xi32, #tpu.memory_space<hbm>>
      tpu.wait_dma2 semaphore(%run_scoped3A : memref<!tpu.dma_semaphore, #tpu.memory_space<semaphore_mem>>) src(%dma_wait3A_87 : memref<10000xi32, #tpu.memory_space<hbm>>) dst(%arg7 : memref<10000xi32, #tpu.memory_space<vmem>>)
      tpu.yield
    }) : () -> ()
    %barrier3A = arith.constant 0 : index
    tpu.barrier barrier_id(%barrier3A)
    %dma_start3A = arith.constant 0 : i32
    %dma_start3A_7 = arith.constant 0 : i32
    %dma_start3A_8 = arith.constant 0 : i32
    %dma_start3A_9 = tpu.memref_slice %arg8[%dma_start3A, %dma_start3A_7, %dma_start3A_8] : memref<5x80x32xf32, #tpu.memory_space<vmem>> -> memref<1x80x32xf32, #tpu.memory_space<vmem>>
    %dma_start3A_10 = tpu.memref_squeeze %dma_start3A_9 : memref<1x80x32xf32, #tpu.memory_space<vmem>> -> memref<80x32xf32, #tpu.memory_space<vmem>>
    %dma_start3A_11 = arith.constant 0 : i32
    %dma_start3A_12 = tpu.memref_slice %arg6[%dma_start3A_11] : memref<10000xi32, #tpu.memory_space<vmem>> -> memref<80xi32, #tpu.memory_space<vmem>>
    %dma_start3A_13 = arith.constant 0 : i32
    %dma_start3A_14 = arith.constant 0 : i32
    %dma_start3A_15 = tpu.memref_slice %arg2[%arg0, %dma_start3A_13, %dma_start3A_14] : memref<2x10000x32xf32, #tpu.memory_space<hbm>> -> memref<1x10000x32xf32, #tpu.memory_space<hbm>>
    %dma_start3A_16 = tpu.memref_squeeze %dma_start3A_15 : memref<1x10000x32xf32, #tpu.memory_space<hbm>> -> memref<10000x32xf32, #tpu.memory_space<hbm>>
    %dma_start3A_17 = arith.constant 0 : i32
    %dma_start3A_18 = arith.constant 0 : i32
    %dma_start3A_19 = tpu.memref_slice %dma_start3A_16[%dma_start3A_17, %dma_start3A_18] : memref<10000x32xf32, #tpu.memory_space<hbm>> -> memref<10000x32xf32, #tpu.memory_space<hbm>>
    tpu.enqueue_indirect_dma source(%dma_start3A_19 : memref<10000x32xf32, #tpu.memory_space<hbm>>) target(%dma_start3A_10 : memref<80x32xf32, #tpu.memory_space<vmem>>) offsets(%dma_start3A_12 : memref<80xi32, #tpu.memory_space<vmem>>) semaphore(%arg10 : memref<!tpu.dma_semaphore, #tpu.memory_space<semaphore_mem>>)
    %dma_start3A_20 = arith.constant 1 : i32
    %dma_start3A_21 = arith.constant 0 : i32
    %dma_start3A_22 = arith.constant 0 : i32
    %dma_start3A_23 = tpu.memref_slice %arg8[%dma_start3A_20, %dma_start3A_21, %dma_start3A_22] : memref<5x80x32xf32, #tpu.memory_space<vmem>> -> memref<1x80x32xf32, #tpu.memory_space<vmem>>
    %dma_start3A_24 = tpu.memref_squeeze %dma_start3A_23 : memref<1x80x32xf32, #tpu.memory_space<vmem>> -> memref<80x32xf32, #tpu.memory_space<vmem>>
    %dma_start3A_25 = arith.constant 80 : i32
    %dma_start3A_26 = tpu.memref_slice %arg6[%dma_start3A_25] : memref<10000xi32, #tpu.memory_space<vmem>> -> memref<80xi32, #tpu.memory_space<vmem>>
    %dma_start3A_27 = arith.constant 0 : i32
    %dma_start3A_28 = arith.constant 0 : i32
    %dma_start3A_29 = tpu.memref_slice %arg2[%arg0, %dma_start3A_27, %dma_start3A_28] : memref<2x10000x32xf32, #tpu.memory_space<hbm>> -> memref<1x10000x32xf32, #tpu.memory_space<hbm>>
    %dma_start3A_30 = tpu.memref_squeeze %dma_start3A_29 : memref<1x10000x32xf32, #tpu.memory_space<hbm>> -> memref<10000x32xf32, #tpu.memory_space<hbm>>
    %dma_start3A_31 = arith.constant 0 : i32
    %dma_start3A_32 = arith.constant 0 : i32
    %dma_start3A_33 = tpu.memref_slice %dma_start3A_30[%dma_start3A_31, %dma_start3A_32] : memref<10000x32xf32, #tpu.memory_space<hbm>> -> memref<10000x32xf32, #tpu.memory_space<hbm>>
    tpu.enqueue_indirect_dma source(%dma_start3A_33 : memref<10000x32xf32, #tpu.memory_space<hbm>>) target(%dma_start3A_24 : memref<80x32xf32, #tpu.memory_space<vmem>>) offsets(%dma_start3A_26 : memref<80xi32, #tpu.memory_space<vmem>>) semaphore(%arg11 : memref<!tpu.dma_semaphore, #tpu.memory_space<semaphore_mem>>)
    %dma_start3A_34 = arith.constant 2 : i32
    %dma_start3A_35 = arith.constant 0 : i32
    %dma_start3A_36 = arith.constant 0 : i32
    %dma_start3A_37 = tpu.memref_slice %arg8[%dma_start3A_34, %dma_start3A_35, %dma_start3A_36] : memref<5x80x32xf32, #tpu.memory_space<vmem>> -> memref<1x80x32xf32, #tpu.memory_space<vmem>>
    %dma_start3A_38 = tpu.memref_squeeze %dma_start3A_37 : memref<1x80x32xf32, #tpu.memory_space<vmem>> -> memref<80x32xf32, #tpu.memory_space<vmem>>
    %dma_start3A_39 = arith.constant 160 : i32
    %dma_start3A_40 = tpu.memref_slice %arg6[%dma_start3A_39] : memref<10000xi32, #tpu.memory_space<vmem>> -> memref<80xi32, #tpu.memory_space<vmem>>
    %dma_start3A_41 = arith.constant 0 : i32
    %dma_start3A_42 = arith.constant 0 : i32
    %dma_start3A_43 = tpu.memref_slice %arg2[%arg0, %dma_start3A_41, %dma_start3A_42] : memref<2x10000x32xf32, #tpu.memory_space<hbm>> -> memref<1x10000x32xf32, #tpu.memory_space<hbm>>
    %dma_start3A_44 = tpu.memref_squeeze %dma_start3A_43 : memref<1x10000x32xf32, #tpu.memory_space<hbm>> -> memref<10000x32xf32, #tpu.memory_space<hbm>>
    %dma_start3A_45 = arith.constant 0 : i32
    %dma_start3A_46 = arith.constant 0 : i32
    %dma_start3A_47 = tpu.memref_slice %dma_start3A_44[%dma_start3A_45, %dma_start3A_46] : memref<10000x32xf32, #tpu.memory_space<hbm>> -> memref<10000x32xf32, #tpu.memory_space<hbm>>
    tpu.enqueue_indirect_dma source(%dma_start3A_47 : memref<10000x32xf32, #tpu.memory_space<hbm>>) target(%dma_start3A_38 : memref<80x32xf32, #tpu.memory_space<vmem>>) offsets(%dma_start3A_40 : memref<80xi32, #tpu.memory_space<vmem>>) semaphore(%arg12 : memref<!tpu.dma_semaphore, #tpu.memory_space<semaphore_mem>>)
    %dma_start3A_48 = arith.constant 3 : i32
    %dma_start3A_49 = arith.constant 0 : i32
    %dma_start3A_50 = arith.constant 0 : i32
    %dma_start3A_51 = tpu.memref_slice %arg8[%dma_start3A_48, %dma_start3A_49, %dma_start3A_50] : memref<5x80x32xf32, #tpu.memory_space<vmem>> -> memref<1x80x32xf32, #tpu.memory_space<vmem>>
    %dma_start3A_52 = tpu.memref_squeeze %dma_start3A_51 : memref<1x80x32xf32, #tpu.memory_space<vmem>> -> memref<80x32xf32, #tpu.memory_space<vmem>>
    %dma_start3A_53 = arith.constant 240 : i32
    %dma_start3A_54 = tpu.memref_slice %arg6[%dma_start3A_53] : memref<10000xi32, #tpu.memory_space<vmem>> -> memref<80xi32, #tpu.memory_space<vmem>>
    %dma_start3A_55 = arith.constant 0 : i32
    %dma_start3A_56 = arith.constant 0 : i32
    %dma_start3A_57 = tpu.memref_slice %arg2[%arg0, %dma_start3A_55, %dma_start3A_56] : memref<2x10000x32xf32, #tpu.memory_space<hbm>> -> memref<1x10000x32xf32, #tpu.memory_space<hbm>>
    %dma_start3A_58 = tpu.memref_squeeze %dma_start3A_57 : memref<1x10000x32xf32, #tpu.memory_space<hbm>> -> memref<10000x32xf32, #tpu.memory_space<hbm>>
    %dma_start3A_59 = arith.constant 0 : i32
    %dma_start3A_60 = arith.constant 0 : i32
    %dma_start3A_61 = tpu.memref_slice %dma_start3A_58[%dma_start3A_59, %dma_start3A_60] : memref<10000x32xf32, #tpu.memory_space<hbm>> -> memref<10000x32xf32, #tpu.memory_space<hbm>>
    tpu.enqueue_indirect_dma source(%dma_start3A_61 : memref<10000x32xf32, #tpu.memory_space<hbm>>) target(%dma_start3A_52 : memref<80x32xf32, #tpu.memory_space<vmem>>) offsets(%dma_start3A_54 : memref<80xi32, #tpu.memory_space<vmem>>) semaphore(%arg13 : memref<!tpu.dma_semaphore, #tpu.memory_space<semaphore_mem>>)
    %dma_start3A_62 = arith.constant 4 : i32
    %dma_start3A_63 = arith.constant 0 : i32
    %dma_start3A_64 = arith.constant 0 : i32
    %dma_start3A_65 = tpu.memref_slice %arg8[%dma_start3A_62, %dma_start3A_63, %dma_start3A_64] : memref<5x80x32xf32, #tpu.memory_space<vmem>> -> memref<1x80x32xf32, #tpu.memory_space<vmem>>
    %dma_start3A_66 = tpu.memref_squeeze %dma_start3A_65 : memref<1x80x32xf32, #tpu.memory_space<vmem>> -> memref<80x32xf32, #tpu.memory_space<vmem>>
    %dma_start3A_67 = arith.constant 320 : i32
    %dma_start3A_68 = tpu.memref_slice %arg6[%dma_start3A_67] : memref<10000xi32, #tpu.memory_space<vmem>> -> memref<80xi32, #tpu.memory_space<vmem>>
    %dma_start3A_69 = arith.constant 0 : i32
    %dma_start3A_70 = arith.constant 0 : i32
    %dma_start3A_71 = tpu.memref_slice %arg2[%arg0, %dma_start3A_69, %dma_start3A_70] : memref<2x10000x32xf32, #tpu.memory_space<hbm>> -> memref<1x10000x32xf32, #tpu.memory_space<hbm>>
    %dma_start3A_72 = tpu.memref_squeeze %dma_start3A_71 : memref<1x10000x32xf32, #tpu.memory_space<hbm>> -> memref<10000x32xf32, #tpu.memory_space<hbm>>
    %dma_start3A_73 = arith.constant 0 : i32
    %dma_start3A_74 = arith.constant 0 : i32
    %dma_start3A_75 = tpu.memref_slice %dma_start3A_72[%dma_start3A_73, %dma_start3A_74] : memref<10000x32xf32, #tpu.memory_space<hbm>> -> memref<10000x32xf32, #tpu.memory_space<hbm>>
    tpu.enqueue_indirect_dma source(%dma_start3A_75 : memref<10000x32xf32, #tpu.memory_space<hbm>>) target(%dma_start3A_66 : memref<80x32xf32, #tpu.memory_space<vmem>>) offsets(%dma_start3A_68 : memref<80xi32, #tpu.memory_space<vmem>>) semaphore(%arg14 : memref<!tpu.dma_semaphore, #tpu.memory_space<semaphore_mem>>)
    %scan3A = arith.constant 0 : i32
    %scan3A_76 = arith.constant 25 : i32
    %scan3A_77 = arith.addi %scan3A, %scan3A_76 : i32
    %scan3A_78 = arith.constant 1 : i32
    scf.for %scan3A_85 = %scan3A to %scan3A_77 step %scan3A_78  : i32 {
      %mul3A_86 = arith.constant 5 : i32
      %mul3A_87 = arith.muli %scan3A_85, %mul3A_86 : i32
      %add3A = arith.constant 0 : i32
      %add3A_88 = arith.addi %add3A, %mul3A_87 : i32
      %add3A_89 = arith.constant 0 : i32
      %add3A_90 = arith.addi %add3A_88, %add3A_89 : i32
      %mul3A_91 = arith.constant 80 : i32
      %mul3A_92 = arith.muli %add3A_90, %mul3A_91 : i32
      %dma_wait3A = arith.constant 0 : i32
      %dma_wait3A_93 = arith.constant 0 : i32
      %dma_wait3A_94 = arith.constant 0 : i32
      %dma_wait3A_95 = tpu.memref_slice %arg8[%dma_wait3A, %dma_wait3A_93, %dma_wait3A_94] : memref<5x80x32xf32, #tpu.memory_space<vmem>> -> memref<1x80x32xf32, #tpu.memory_space<vmem>>
      %dma_wait3A_96 = tpu.memref_squeeze %dma_wait3A_95 : memref<1x80x32xf32, #tpu.memory_space<vmem>> -> memref<80x32xf32, #tpu.memory_space<vmem>>
      %dma_wait3A_97 = tpu.memref_slice %arg6[%mul3A_92] : memref<10000xi32, #tpu.memory_space<vmem>> -> memref<80xi32, #tpu.memory_space<vmem>>
      %dma_wait3A_98 = arith.constant 0 : i32
      %dma_wait3A_99 = arith.constant 0 : i32
      %dma_wait3A_100 = tpu.memref_slice %arg2[%arg0, %dma_wait3A_98, %dma_wait3A_99] : memref<2x10000x32xf32, #tpu.memory_space<hbm>> -> memref<1x10000x32xf32, #tpu.memory_space<hbm>>
      %dma_wait3A_101 = tpu.memref_squeeze %dma_wait3A_100 : memref<1x10000x32xf32, #tpu.memory_space<hbm>> -> memref<10000x32xf32, #tpu.memory_space<hbm>>
      %dma_wait3A_102 = arith.constant 0 : i32
      %dma_wait3A_103 = arith.constant 0 : i32
      %dma_wait3A_104 = tpu.memref_slice %dma_wait3A_101[%dma_wait3A_102, %dma_wait3A_103] : memref<10000x32xf32, #tpu.memory_space<hbm>> -> memref<10000x32xf32, #tpu.memory_space<hbm>>
      tpu.wait_indirect_dma semaphore(%arg10 : memref<!tpu.dma_semaphore, #tpu.memory_space<semaphore_mem>>) src(%dma_wait3A_104 : memref<10000x32xf32, #tpu.memory_space<hbm>>) dst(%dma_wait3A_96 : memref<80x32xf32, #tpu.memory_space<vmem>>)
      %mul3A_105 = arith.constant 80 : i32
      %mul3A_106 = arith.muli %add3A_90, %mul3A_105 : i32
      %run_scoped3A = arith.constant 0 : i32
      "tpu.region"() ({
        %run_scoped3A_219 = tpu.sem_alloc : memref<!tpu.dma_semaphore, #tpu.memory_space<semaphore_mem>>
        %dma_start3A_220 = arith.constant 0 : i32
        %dma_start3A_221 = arith.constant 0 : i32
        %dma_start3A_222 = tpu.memref_slice %arg8[%run_scoped3A, %dma_start3A_220, %dma_start3A_221] : memref<5x80x32xf32, #tpu.memory_space<vmem>> -> memref<1x80x32xf32, #tpu.memory_space<vmem>>
        %dma_start3A_223 = tpu.memref_squeeze %dma_start3A_222 : memref<1x80x32xf32, #tpu.memory_space<vmem>> -> memref<80x32xf32, #tpu.memory_space<vmem>>
        %dma_start3A_224 = tpu.memref_slice %arg7[%mul3A_106] : memref<10000xi32, #tpu.memory_space<vmem>> -> memref<80xi32, #tpu.memory_space<vmem>>
        %dma_start3A_225 = arith.constant 0 : i32
        %dma_start3A_226 = arith.constant 0 : i32
        %dma_start3A_227 = tpu.memref_slice %arg9[%dma_start3A_225, %dma_start3A_226] : memref<10000x32xf32, #tpu.memory_space<vmem_shared>> -> memref<10000x32xf32, #tpu.memory_space<vmem_shared>>
        tpu.enqueue_indirect_dma source(%dma_start3A_223 : memref<80x32xf32, #tpu.memory_space<vmem>>) target(%dma_start3A_227 : memref<10000x32xf32, #tpu.memory_space<vmem_shared>>) offsets(%dma_start3A_224 : memref<80xi32, #tpu.memory_space<vmem>>) semaphore(%run_scoped3A_219 : memref<!tpu.dma_semaphore, #tpu.memory_space<semaphore_mem>>) {add = true}
        %dma_wait3A_228 = arith.constant 0 : i32
        %dma_wait3A_229 = arith.constant 0 : i32
        %dma_wait3A_230 = tpu.memref_slice %arg8[%run_scoped3A, %dma_wait3A_228, %dma_wait3A_229] : memref<5x80x32xf32, #tpu.memory_space<vmem>> -> memref<1x80x32xf32, #tpu.memory_space<vmem>>
        %dma_wait3A_231 = tpu.memref_squeeze %dma_wait3A_230 : memref<1x80x32xf32, #tpu.memory_space<vmem>> -> memref<80x32xf32, #tpu.memory_space<vmem>>
        %dma_wait3A_232 = tpu.memref_slice %arg7[%mul3A_106] : memref<10000xi32, #tpu.memory_space<vmem>> -> memref<80xi32, #tpu.memory_space<vmem>>
        %dma_wait3A_233 = arith.constant 0 : i32
        %dma_wait3A_234 = arith.constant 0 : i32
        %dma_wait3A_235 = tpu.memref_slice %arg9[%dma_wait3A_233, %dma_wait3A_234] : memref<10000x32xf32, #tpu.memory_space<vmem_shared>> -> memref<10000x32xf32, #tpu.memory_space<vmem_shared>>
        tpu.wait_indirect_dma semaphore(%run_scoped3A_219 : memref<!tpu.dma_semaphore, #tpu.memory_space<semaphore_mem>>) src(%dma_wait3A_231 : memref<80x32xf32, #tpu.memory_space<vmem>>) dst(%dma_wait3A_235 : memref<10000x32xf32, #tpu.memory_space<vmem_shared>>)
        tpu.yield
      }) : () -> ()
      %add3A_107 = arith.constant 5 : i32
      %add3A_108 = arith.addi %add3A_90, %add3A_107 : i32
      %lt3A = arith.constant 125 : i32
      %lt3A_109 = arith.cmpi slt, %add3A_108, %lt3A : i32
      %convert_element_type3A = arith.extui %lt3A_109 : i1 to i32
      %cond3A = arith.constant 0 : i32
      %cond3A_110 = arith.cmpi ne, %convert_element_type3A, %cond3A : i32
      scf.if %cond3A_110 {
        %add3A_219 = arith.constant 5 : i32
        %add3A_220 = arith.addi %add3A_90, %add3A_219 : i32
        %mul3A_221 = arith.constant 80 : i32
        %mul3A_222 = arith.muli %add3A_220, %mul3A_221 : i32
        %dma_start3A_223 = arith.constant 0 : i32
        %dma_start3A_224 = arith.constant 0 : i32
        %dma_start3A_225 = arith.constant 0 : i32
        %dma_start3A_226 = tpu.memref_slice %arg8[%dma_start3A_223, %dma_start3A_224, %dma_start3A_225] : memref<5x80x32xf32, #tpu.memory_space<vmem>> -> memref<1x80x32xf32, #tpu.memory_space<vmem>>
        %dma_start3A_227 = tpu.memref_squeeze %dma_start3A_226 : memref<1x80x32xf32, #tpu.memory_space<vmem>> -> memref<80x32xf32, #tpu.memory_space<vmem>>
        %dma_start3A_228 = tpu.memref_slice %arg6[%mul3A_222] : memref<10000xi32, #tpu.memory_space<vmem>> -> memref<80xi32, #tpu.memory_space<vmem>>
        %dma_start3A_229 = arith.constant 0 : i32
        %dma_start3A_230 = arith.constant 0 : i32
        %dma_start3A_231 = tpu.memref_slice %arg2[%arg0, %dma_start3A_229, %dma_start3A_230] : memref<2x10000x32xf32, #tpu.memory_space<hbm>> -> memref<1x10000x32xf32, #tpu.memory_space<hbm>>
        %dma_start3A_232 = tpu.memref_squeeze %dma_start3A_231 : memref<1x10000x32xf32, #tpu.memory_space<hbm>> -> memref<10000x32xf32, #tpu.memory_space<hbm>>
        %dma_start3A_233 = arith.constant 0 : i32
        %dma_start3A_234 = arith.constant 0 : i32
        %dma_start3A_235 = tpu.memref_slice %dma_start3A_232[%dma_start3A_233, %dma_start3A_234] : memref<10000x32xf32, #tpu.memory_space<hbm>> -> memref<10000x32xf32, #tpu.memory_space<hbm>>
        tpu.enqueue_indirect_dma source(%dma_start3A_235 : memref<10000x32xf32, #tpu.memory_space<hbm>>) target(%dma_start3A_227 : memref<80x32xf32, #tpu.memory_space<vmem>>) offsets(%dma_start3A_228 : memref<80xi32, #tpu.memory_space<vmem>>) semaphore(%arg10 : memref<!tpu.dma_semaphore, #tpu.memory_space<semaphore_mem>>)
      } else {
      }
      %add3A_111 = arith.constant 1 : i32
      %add3A_112 = arith.addi %add3A_88, %add3A_111 : i32
      %mul3A_113 = arith.constant 80 : i32
      %mul3A_114 = arith.muli %add3A_112, %mul3A_113 : i32
      %dma_wait3A_115 = arith.constant 1 : i32
      %dma_wait3A_116 = arith.constant 0 : i32
      %dma_wait3A_117 = arith.constant 0 : i32
      %dma_wait3A_118 = tpu.memref_slice %arg8[%dma_wait3A_115, %dma_wait3A_116, %dma_wait3A_117] : memref<5x80x32xf32, #tpu.memory_space<vmem>> -> memref<1x80x32xf32, #tpu.memory_space<vmem>>
      %dma_wait3A_119 = tpu.memref_squeeze %dma_wait3A_118 : memref<1x80x32xf32, #tpu.memory_space<vmem>> -> memref<80x32xf32, #tpu.memory_space<vmem>>
      %dma_wait3A_120 = tpu.memref_slice %arg6[%mul3A_114] : memref<10000xi32, #tpu.memory_space<vmem>> -> memref<80xi32, #tpu.memory_space<vmem>>
      %dma_wait3A_121 = arith.constant 0 : i32
      %dma_wait3A_122 = arith.constant 0 : i32
      %dma_wait3A_123 = tpu.memref_slice %arg2[%arg0, %dma_wait3A_121, %dma_wait3A_122] : memref<2x10000x32xf32, #tpu.memory_space<hbm>> -> memref<1x10000x32xf32, #tpu.memory_space<hbm>>
      %dma_wait3A_124 = tpu.memref_squeeze %dma_wait3A_123 : memref<1x10000x32xf32, #tpu.memory_space<hbm>> -> memref<10000x32xf32, #tpu.memory_space<hbm>>
      %dma_wait3A_125 = arith.constant 0 : i32
      %dma_wait3A_126 = arith.constant 0 : i32
      %dma_wait3A_127 = tpu.memref_slice %dma_wait3A_124[%dma_wait3A_125, %dma_wait3A_126] : memref<10000x32xf32, #tpu.memory_space<hbm>> -> memref<10000x32xf32, #tpu.memory_space<hbm>>
      tpu.wait_indirect_dma semaphore(%arg11 : memref<!tpu.dma_semaphore, #tpu.memory_space<semaphore_mem>>) src(%dma_wait3A_127 : memref<10000x32xf32, #tpu.memory_space<hbm>>) dst(%dma_wait3A_119 : memref<80x32xf32, #tpu.memory_space<vmem>>)
      %mul3A_128 = arith.constant 80 : i32
      %mul3A_129 = arith.muli %add3A_112, %mul3A_128 : i32
      %run_scoped3A_130 = arith.constant 1 : i32
      "tpu.region"() ({
        %run_scoped3A_219 = tpu.sem_alloc : memref<!tpu.dma_semaphore, #tpu.memory_space<semaphore_mem>>
        %dma_start3A_220 = arith.constant 0 : i32
        %dma_start3A_221 = arith.constant 0 : i32
        %dma_start3A_222 = tpu.memref_slice %arg8[%run_scoped3A_130, %dma_start3A_220, %dma_start3A_221] : memref<5x80x32xf32, #tpu.memory_space<vmem>> -> memref<1x80x32xf32, #tpu.memory_space<vmem>>
        %dma_start3A_223 = tpu.memref_squeeze %dma_start3A_222 : memref<1x80x32xf32, #tpu.memory_space<vmem>> -> memref<80x32xf32, #tpu.memory_space<vmem>>
        %dma_start3A_224 = tpu.memref_slice %arg7[%mul3A_129] : memref<10000xi32, #tpu.memory_space<vmem>> -> memref<80xi32, #tpu.memory_space<vmem>>
        %dma_start3A_225 = arith.constant 0 : i32
        %dma_start3A_226 = arith.constant 0 : i32
        %dma_start3A_227 = tpu.memref_slice %arg9[%dma_start3A_225, %dma_start3A_226] : memref<10000x32xf32, #tpu.memory_space<vmem_shared>> -> memref<10000x32xf32, #tpu.memory_space<vmem_shared>>
        tpu.enqueue_indirect_dma source(%dma_start3A_223 : memref<80x32xf32, #tpu.memory_space<vmem>>) target(%dma_start3A_227 : memref<10000x32xf32, #tpu.memory_space<vmem_shared>>) offsets(%dma_start3A_224 : memref<80xi32, #tpu.memory_space<vmem>>) semaphore(%run_scoped3A_219 : memref<!tpu.dma_semaphore, #tpu.memory_space<semaphore_mem>>) {add = true}
        %dma_wait3A_228 = arith.constant 0 : i32
        %dma_wait3A_229 = arith.constant 0 : i32
        %dma_wait3A_230 = tpu.memref_slice %arg8[%run_scoped3A_130, %dma_wait3A_228, %dma_wait3A_229] : memref<5x80x32xf32, #tpu.memory_space<vmem>> -> memref<1x80x32xf32, #tpu.memory_space<vmem>>
        %dma_wait3A_231 = tpu.memref_squeeze %dma_wait3A_230 : memref<1x80x32xf32, #tpu.memory_space<vmem>> -> memref<80x32xf32, #tpu.memory_space<vmem>>
        %dma_wait3A_232 = tpu.memref_slice %arg7[%mul3A_129] : memref<10000xi32, #tpu.memory_space<vmem>> -> memref<80xi32, #tpu.memory_space<vmem>>
        %dma_wait3A_233 = arith.constant 0 : i32
        %dma_wait3A_234 = arith.constant 0 : i32
        %dma_wait3A_235 = tpu.memref_slice %arg9[%dma_wait3A_233, %dma_wait3A_234] : memref<10000x32xf32, #tpu.memory_space<vmem_shared>> -> memref<10000x32xf32, #tpu.memory_space<vmem_shared>>
        tpu.wait_indirect_dma semaphore(%run_scoped3A_219 : memref<!tpu.dma_semaphore, #tpu.memory_space<semaphore_mem>>) src(%dma_wait3A_231 : memref<80x32xf32, #tpu.memory_space<vmem>>) dst(%dma_wait3A_235 : memref<10000x32xf32, #tpu.memory_space<vmem_shared>>)
        tpu.yield
      }) : () -> ()
      %add3A_131 = arith.constant 5 : i32
      %add3A_132 = arith.addi %add3A_112, %add3A_131 : i32
      %lt3A_133 = arith.constant 125 : i32
      %lt3A_134 = arith.cmpi slt, %add3A_132, %lt3A_133 : i32
      %convert_element_type3A_135 = arith.extui %lt3A_134 : i1 to i32
      %cond3A_136 = arith.constant 0 : i32
      %cond3A_137 = arith.cmpi ne, %convert_element_type3A_135, %cond3A_136 : i32
      scf.if %cond3A_137 {
        %add3A_219 = arith.constant 5 : i32
        %add3A_220 = arith.addi %add3A_112, %add3A_219 : i32
        %mul3A_221 = arith.constant 80 : i32
        %mul3A_222 = arith.muli %add3A_220, %mul3A_221 : i32
        %dma_start3A_223 = arith.constant 1 : i32
        %dma_start3A_224 = arith.constant 0 : i32
        %dma_start3A_225 = arith.constant 0 : i32
        %dma_start3A_226 = tpu.memref_slice %arg8[%dma_start3A_223, %dma_start3A_224, %dma_start3A_225] : memref<5x80x32xf32, #tpu.memory_space<vmem>> -> memref<1x80x32xf32, #tpu.memory_space<vmem>>
        %dma_start3A_227 = tpu.memref_squeeze %dma_start3A_226 : memref<1x80x32xf32, #tpu.memory_space<vmem>> -> memref<80x32xf32, #tpu.memory_space<vmem>>
        %dma_start3A_228 = tpu.memref_slice %arg6[%mul3A_222] : memref<10000xi32, #tpu.memory_space<vmem>> -> memref<80xi32, #tpu.memory_space<vmem>>
        %dma_start3A_229 = arith.constant 0 : i32
        %dma_start3A_230 = arith.constant 0 : i32
        %dma_start3A_231 = tpu.memref_slice %arg2[%arg0, %dma_start3A_229, %dma_start3A_230] : memref<2x10000x32xf32, #tpu.memory_space<hbm>> -> memref<1x10000x32xf32, #tpu.memory_space<hbm>>
        %dma_start3A_232 = tpu.memref_squeeze %dma_start3A_231 : memref<1x10000x32xf32, #tpu.memory_space<hbm>> -> memref<10000x32xf32, #tpu.memory_space<hbm>>
        %dma_start3A_233 = arith.constant 0 : i32
        %dma_start3A_234 = arith.constant 0 : i32
        %dma_start3A_235 = tpu.memref_slice %dma_start3A_232[%dma_start3A_233, %dma_start3A_234] : memref<10000x32xf32, #tpu.memory_space<hbm>> -> memref<10000x32xf32, #tpu.memory_space<hbm>>
        tpu.enqueue_indirect_dma source(%dma_start3A_235 : memref<10000x32xf32, #tpu.memory_space<hbm>>) target(%dma_start3A_227 : memref<80x32xf32, #tpu.memory_space<vmem>>) offsets(%dma_start3A_228 : memref<80xi32, #tpu.memory_space<vmem>>) semaphore(%arg11 : memref<!tpu.dma_semaphore, #tpu.memory_space<semaphore_mem>>)
      } else {
      }
      %add3A_138 = arith.constant 2 : i32
      %add3A_139 = arith.addi %add3A_88, %add3A_138 : i32
      %mul3A_140 = arith.constant 80 : i32
      %mul3A_141 = arith.muli %add3A_139, %mul3A_140 : i32
      %dma_wait3A_142 = arith.constant 2 : i32
      %dma_wait3A_143 = arith.constant 0 : i32
      %dma_wait3A_144 = arith.constant 0 : i32
      %dma_wait3A_145 = tpu.memref_slice %arg8[%dma_wait3A_142, %dma_wait3A_143, %dma_wait3A_144] : memref<5x80x32xf32, #tpu.memory_space<vmem>> -> memref<1x80x32xf32, #tpu.memory_space<vmem>>
      %dma_wait3A_146 = tpu.memref_squeeze %dma_wait3A_145 : memref<1x80x32xf32, #tpu.memory_space<vmem>> -> memref<80x32xf32, #tpu.memory_space<vmem>>
      %dma_wait3A_147 = tpu.memref_slice %arg6[%mul3A_141] : memref<10000xi32, #tpu.memory_space<vmem>> -> memref<80xi32, #tpu.memory_space<vmem>>
      %dma_wait3A_148 = arith.constant 0 : i32
      %dma_wait3A_149 = arith.constant 0 : i32
      %dma_wait3A_150 = tpu.memref_slice %arg2[%arg0, %dma_wait3A_148, %dma_wait3A_149] : memref<2x10000x32xf32, #tpu.memory_space<hbm>> -> memref<1x10000x32xf32, #tpu.memory_space<hbm>>
      %dma_wait3A_151 = tpu.memref_squeeze %dma_wait3A_150 : memref<1x10000x32xf32, #tpu.memory_space<hbm>> -> memref<10000x32xf32, #tpu.memory_space<hbm>>
      %dma_wait3A_152 = arith.constant 0 : i32
      %dma_wait3A_153 = arith.constant 0 : i32
      %dma_wait3A_154 = tpu.memref_slice %dma_wait3A_151[%dma_wait3A_152, %dma_wait3A_153] : memref<10000x32xf32, #tpu.memory_space<hbm>> -> memref<10000x32xf32, #tpu.memory_space<hbm>>
      tpu.wait_indirect_dma semaphore(%arg12 : memref<!tpu.dma_semaphore, #tpu.memory_space<semaphore_mem>>) src(%dma_wait3A_154 : memref<10000x32xf32, #tpu.memory_space<hbm>>) dst(%dma_wait3A_146 : memref<80x32xf32, #tpu.memory_space<vmem>>)
      %mul3A_155 = arith.constant 80 : i32
      %mul3A_156 = arith.muli %add3A_139, %mul3A_155 : i32
      %run_scoped3A_157 = arith.constant 2 : i32
      "tpu.region"() ({
        %run_scoped3A_219 = tpu.sem_alloc : memref<!tpu.dma_semaphore, #tpu.memory_space<semaphore_mem>>
        %dma_start3A_220 = arith.constant 0 : i32
        %dma_start3A_221 = arith.constant 0 : i32
        %dma_start3A_222 = tpu.memref_slice %arg8[%run_scoped3A_157, %dma_start3A_220, %dma_start3A_221] : memref<5x80x32xf32, #tpu.memory_space<vmem>> -> memref<1x80x32xf32, #tpu.memory_space<vmem>>
        %dma_start3A_223 = tpu.memref_squeeze %dma_start3A_222 : memref<1x80x32xf32, #tpu.memory_space<vmem>> -> memref<80x32xf32, #tpu.memory_space<vmem>>
        %dma_start3A_224 = tpu.memref_slice %arg7[%mul3A_156] : memref<10000xi32, #tpu.memory_space<vmem>> -> memref<80xi32, #tpu.memory_space<vmem>>
        %dma_start3A_225 = arith.constant 0 : i32
        %dma_start3A_226 = arith.constant 0 : i32
        %dma_start3A_227 = tpu.memref_slice %arg9[%dma_start3A_225, %dma_start3A_226] : memref<10000x32xf32, #tpu.memory_space<vmem_shared>> -> memref<10000x32xf32, #tpu.memory_space<vmem_shared>>
        tpu.enqueue_indirect_dma source(%dma_start3A_223 : memref<80x32xf32, #tpu.memory_space<vmem>>) target(%dma_start3A_227 : memref<10000x32xf32, #tpu.memory_space<vmem_shared>>) offsets(%dma_start3A_224 : memref<80xi32, #tpu.memory_space<vmem>>) semaphore(%run_scoped3A_219 : memref<!tpu.dma_semaphore, #tpu.memory_space<semaphore_mem>>) {add = true}
        %dma_wait3A_228 = arith.constant 0 : i32
        %dma_wait3A_229 = arith.constant 0 : i32
        %dma_wait3A_230 = tpu.memref_slice %arg8[%run_scoped3A_157, %dma_wait3A_228, %dma_wait3A_229] : memref<5x80x32xf32, #tpu.memory_space<vmem>> -> memref<1x80x32xf32, #tpu.memory_space<vmem>>
        %dma_wait3A_231 = tpu.memref_squeeze %dma_wait3A_230 : memref<1x80x32xf32, #tpu.memory_space<vmem>> -> memref<80x32xf32, #tpu.memory_space<vmem>>
        %dma_wait3A_232 = tpu.memref_slice %arg7[%mul3A_156] : memref<10000xi32, #tpu.memory_space<vmem>> -> memref<80xi32, #tpu.memory_space<vmem>>
        %dma_wait3A_233 = arith.constant 0 : i32
        %dma_wait3A_234 = arith.constant 0 : i32
        %dma_wait3A_235 = tpu.memref_slice %arg9[%dma_wait3A_233, %dma_wait3A_234] : memref<10000x32xf32, #tpu.memory_space<vmem_shared>> -> memref<10000x32xf32, #tpu.memory_space<vmem_shared>>
        tpu.wait_indirect_dma semaphore(%run_scoped3A_219 : memref<!tpu.dma_semaphore, #tpu.memory_space<semaphore_mem>>) src(%dma_wait3A_231 : memref<80x32xf32, #tpu.memory_space<vmem>>) dst(%dma_wait3A_235 : memref<10000x32xf32, #tpu.memory_space<vmem_shared>>)
        tpu.yield
      }) : () -> ()
      %add3A_158 = arith.constant 5 : i32
      %add3A_159 = arith.addi %add3A_139, %add3A_158 : i32
      %lt3A_160 = arith.constant 125 : i32
      %lt3A_161 = arith.cmpi slt, %add3A_159, %lt3A_160 : i32
      %convert_element_type3A_162 = arith.extui %lt3A_161 : i1 to i32
      %cond3A_163 = arith.constant 0 : i32
      %cond3A_164 = arith.cmpi ne, %convert_element_type3A_162, %cond3A_163 : i32
      scf.if %cond3A_164 {
        %add3A_219 = arith.constant 5 : i32
        %add3A_220 = arith.addi %add3A_139, %add3A_219 : i32
        %mul3A_221 = arith.constant 80 : i32
        %mul3A_222 = arith.muli %add3A_220, %mul3A_221 : i32
        %dma_start3A_223 = arith.constant 2 : i32
        %dma_start3A_224 = arith.constant 0 : i32
        %dma_start3A_225 = arith.constant 0 : i32
        %dma_start3A_226 = tpu.memref_slice %arg8[%dma_start3A_223, %dma_start3A_224, %dma_start3A_225] : memref<5x80x32xf32, #tpu.memory_space<vmem>> -> memref<1x80x32xf32, #tpu.memory_space<vmem>>
        %dma_start3A_227 = tpu.memref_squeeze %dma_start3A_226 : memref<1x80x32xf32, #tpu.memory_space<vmem>> -> memref<80x32xf32, #tpu.memory_space<vmem>>
        %dma_start3A_228 = tpu.memref_slice %arg6[%mul3A_222] : memref<10000xi32, #tpu.memory_space<vmem>> -> memref<80xi32, #tpu.memory_space<vmem>>
        %dma_start3A_229 = arith.constant 0 : i32
        %dma_start3A_230 = arith.constant 0 : i32
        %dma_start3A_231 = tpu.memref_slice %arg2[%arg0, %dma_start3A_229, %dma_start3A_230] : memref<2x10000x32xf32, #tpu.memory_space<hbm>> -> memref<1x10000x32xf32, #tpu.memory_space<hbm>>
        %dma_start3A_232 = tpu.memref_squeeze %dma_start3A_231 : memref<1x10000x32xf32, #tpu.memory_space<hbm>> -> memref<10000x32xf32, #tpu.memory_space<hbm>>
        %dma_start3A_233 = arith.constant 0 : i32
        %dma_start3A_234 = arith.constant 0 : i32
        %dma_start3A_235 = tpu.memref_slice %dma_start3A_232[%dma_start3A_233, %dma_start3A_234] : memref<10000x32xf32, #tpu.memory_space<hbm>> -> memref<10000x32xf32, #tpu.memory_space<hbm>>
        tpu.enqueue_indirect_dma source(%dma_start3A_235 : memref<10000x32xf32, #tpu.memory_space<hbm>>) target(%dma_start3A_227 : memref<80x32xf32, #tpu.memory_space<vmem>>) offsets(%dma_start3A_228 : memref<80xi32, #tpu.memory_space<vmem>>) semaphore(%arg12 : memref<!tpu.dma_semaphore, #tpu.memory_space<semaphore_mem>>)
      } else {
      }
      %add3A_165 = arith.constant 3 : i32
      %add3A_166 = arith.addi %add3A_88, %add3A_165 : i32
      %mul3A_167 = arith.constant 80 : i32
      %mul3A_168 = arith.muli %add3A_166, %mul3A_167 : i32
      %dma_wait3A_169 = arith.constant 3 : i32
      %dma_wait3A_170 = arith.constant 0 : i32
      %dma_wait3A_171 = arith.constant 0 : i32
      %dma_wait3A_172 = tpu.memref_slice %arg8[%dma_wait3A_169, %dma_wait3A_170, %dma_wait3A_171] : memref<5x80x32xf32, #tpu.memory_space<vmem>> -> memref<1x80x32xf32, #tpu.memory_space<vmem>>
      %dma_wait3A_173 = tpu.memref_squeeze %dma_wait3A_172 : memref<1x80x32xf32, #tpu.memory_space<vmem>> -> memref<80x32xf32, #tpu.memory_space<vmem>>
      %dma_wait3A_174 = tpu.memref_slice %arg6[%mul3A_168] : memref<10000xi32, #tpu.memory_space<vmem>> -> memref<80xi32, #tpu.memory_space<vmem>>
      %dma_wait3A_175 = arith.constant 0 : i32
      %dma_wait3A_176 = arith.constant 0 : i32
      %dma_wait3A_177 = tpu.memref_slice %arg2[%arg0, %dma_wait3A_175, %dma_wait3A_176] : memref<2x10000x32xf32, #tpu.memory_space<hbm>> -> memref<1x10000x32xf32, #tpu.memory_space<hbm>>
      %dma_wait3A_178 = tpu.memref_squeeze %dma_wait3A_177 : memref<1x10000x32xf32, #tpu.memory_space<hbm>> -> memref<10000x32xf32, #tpu.memory_space<hbm>>
      %dma_wait3A_179 = arith.constant 0 : i32
      %dma_wait3A_180 = arith.constant 0 : i32
      %dma_wait3A_181 = tpu.memref_slice %dma_wait3A_178[%dma_wait3A_179, %dma_wait3A_180] : memref<10000x32xf32, #tpu.memory_space<hbm>> -> memref<10000x32xf32, #tpu.memory_space<hbm>>
      tpu.wait_indirect_dma semaphore(%arg13 : memref<!tpu.dma_semaphore, #tpu.memory_space<semaphore_mem>>) src(%dma_wait3A_181 : memref<10000x32xf32, #tpu.memory_space<hbm>>) dst(%dma_wait3A_173 : memref<80x32xf32, #tpu.memory_space<vmem>>)
      %mul3A_182 = arith.constant 80 : i32
      %mul3A_183 = arith.muli %add3A_166, %mul3A_182 : i32
      %run_scoped3A_184 = arith.constant 3 : i32
      "tpu.region"() ({
        %run_scoped3A_219 = tpu.sem_alloc : memref<!tpu.dma_semaphore, #tpu.memory_space<semaphore_mem>>
        %dma_start3A_220 = arith.constant 0 : i32
        %dma_start3A_221 = arith.constant 0 : i32
        %dma_start3A_222 = tpu.memref_slice %arg8[%run_scoped3A_184, %dma_start3A_220, %dma_start3A_221] : memref<5x80x32xf32, #tpu.memory_space<vmem>> -> memref<1x80x32xf32, #tpu.memory_space<vmem>>
        %dma_start3A_223 = tpu.memref_squeeze %dma_start3A_222 : memref<1x80x32xf32, #tpu.memory_space<vmem>> -> memref<80x32xf32, #tpu.memory_space<vmem>>
        %dma_start3A_224 = tpu.memref_slice %arg7[%mul3A_183] : memref<10000xi32, #tpu.memory_space<vmem>> -> memref<80xi32, #tpu.memory_space<vmem>>
        %dma_start3A_225 = arith.constant 0 : i32
        %dma_start3A_226 = arith.constant 0 : i32
        %dma_start3A_227 = tpu.memref_slice %arg9[%dma_start3A_225, %dma_start3A_226] : memref<10000x32xf32, #tpu.memory_space<vmem_shared>> -> memref<10000x32xf32, #tpu.memory_space<vmem_shared>>
        tpu.enqueue_indirect_dma source(%dma_start3A_223 : memref<80x32xf32, #tpu.memory_space<vmem>>) target(%dma_start3A_227 : memref<10000x32xf32, #tpu.memory_space<vmem_shared>>) offsets(%dma_start3A_224 : memref<80xi32, #tpu.memory_space<vmem>>) semaphore(%run_scoped3A_219 : memref<!tpu.dma_semaphore, #tpu.memory_space<semaphore_mem>>) {add = true}
        %dma_wait3A_228 = arith.constant 0 : i32
        %dma_wait3A_229 = arith.constant 0 : i32
        %dma_wait3A_230 = tpu.memref_slice %arg8[%run_scoped3A_184, %dma_wait3A_228, %dma_wait3A_229] : memref<5x80x32xf32, #tpu.memory_space<vmem>> -> memref<1x80x32xf32, #tpu.memory_space<vmem>>
        %dma_wait3A_231 = tpu.memref_squeeze %dma_wait3A_230 : memref<1x80x32xf32, #tpu.memory_space<vmem>> -> memref<80x32xf32, #tpu.memory_space<vmem>>
        %dma_wait3A_232 = tpu.memref_slice %arg7[%mul3A_183] : memref<10000xi32, #tpu.memory_space<vmem>> -> memref<80xi32, #tpu.memory_space<vmem>>
        %dma_wait3A_233 = arith.constant 0 : i32
        %dma_wait3A_234 = arith.constant 0 : i32
        %dma_wait3A_235 = tpu.memref_slice %arg9[%dma_wait3A_233, %dma_wait3A_234] : memref<10000x32xf32, #tpu.memory_space<vmem_shared>> -> memref<10000x32xf32, #tpu.memory_space<vmem_shared>>
        tpu.wait_indirect_dma semaphore(%run_scoped3A_219 : memref<!tpu.dma_semaphore, #tpu.memory_space<semaphore_mem>>) src(%dma_wait3A_231 : memref<80x32xf32, #tpu.memory_space<vmem>>) dst(%dma_wait3A_235 : memref<10000x32xf32, #tpu.memory_space<vmem_shared>>)
        tpu.yield
      }) : () -> ()
      %add3A_185 = arith.constant 5 : i32
      %add3A_186 = arith.addi %add3A_166, %add3A_185 : i32
      %lt3A_187 = arith.constant 125 : i32
      %lt3A_188 = arith.cmpi slt, %add3A_186, %lt3A_187 : i32
      %convert_element_type3A_189 = arith.extui %lt3A_188 : i1 to i32
      %cond3A_190 = arith.constant 0 : i32
      %cond3A_191 = arith.cmpi ne, %convert_element_type3A_189, %cond3A_190 : i32
      scf.if %cond3A_191 {
        %add3A_219 = arith.constant 5 : i32
        %add3A_220 = arith.addi %add3A_166, %add3A_219 : i32
        %mul3A_221 = arith.constant 80 : i32
        %mul3A_222 = arith.muli %add3A_220, %mul3A_221 : i32
        %dma_start3A_223 = arith.constant 3 : i32
        %dma_start3A_224 = arith.constant 0 : i32
        %dma_start3A_225 = arith.constant 0 : i32
        %dma_start3A_226 = tpu.memref_slice %arg8[%dma_start3A_223, %dma_start3A_224, %dma_start3A_225] : memref<5x80x32xf32, #tpu.memory_space<vmem>> -> memref<1x80x32xf32, #tpu.memory_space<vmem>>
        %dma_start3A_227 = tpu.memref_squeeze %dma_start3A_226 : memref<1x80x32xf32, #tpu.memory_space<vmem>> -> memref<80x32xf32, #tpu.memory_space<vmem>>
        %dma_start3A_228 = tpu.memref_slice %arg6[%mul3A_222] : memref<10000xi32, #tpu.memory_space<vmem>> -> memref<80xi32, #tpu.memory_space<vmem>>
        %dma_start3A_229 = arith.constant 0 : i32
        %dma_start3A_230 = arith.constant 0 : i32
        %dma_start3A_231 = tpu.memref_slice %arg2[%arg0, %dma_start3A_229, %dma_start3A_230] : memref<2x10000x32xf32, #tpu.memory_space<hbm>> -> memref<1x10000x32xf32, #tpu.memory_space<hbm>>
        %dma_start3A_232 = tpu.memref_squeeze %dma_start3A_231 : memref<1x10000x32xf32, #tpu.memory_space<hbm>> -> memref<10000x32xf32, #tpu.memory_space<hbm>>
        %dma_start3A_233 = arith.constant 0 : i32
        %dma_start3A_234 = arith.constant 0 : i32
        %dma_start3A_235 = tpu.memref_slice %dma_start3A_232[%dma_start3A_233, %dma_start3A_234] : memref<10000x32xf32, #tpu.memory_space<hbm>> -> memref<10000x32xf32, #tpu.memory_space<hbm>>
        tpu.enqueue_indirect_dma source(%dma_start3A_235 : memref<10000x32xf32, #tpu.memory_space<hbm>>) target(%dma_start3A_227 : memref<80x32xf32, #tpu.memory_space<vmem>>) offsets(%dma_start3A_228 : memref<80xi32, #tpu.memory_space<vmem>>) semaphore(%arg13 : memref<!tpu.dma_semaphore, #tpu.memory_space<semaphore_mem>>)
      } else {
      }
      %add3A_192 = arith.constant 4 : i32
      %add3A_193 = arith.addi %add3A_88, %add3A_192 : i32
      %mul3A_194 = arith.constant 80 : i32
      %mul3A_195 = arith.muli %add3A_193, %mul3A_194 : i32
      %dma_wait3A_196 = arith.constant 4 : i32
      %dma_wait3A_197 = arith.constant 0 : i32
      %dma_wait3A_198 = arith.constant 0 : i32
      %dma_wait3A_199 = tpu.memref_slice %arg8[%dma_wait3A_196, %dma_wait3A_197, %dma_wait3A_198] : memref<5x80x32xf32, #tpu.memory_space<vmem>> -> memref<1x80x32xf32, #tpu.memory_space<vmem>>
      %dma_wait3A_200 = tpu.memref_squeeze %dma_wait3A_199 : memref<1x80x32xf32, #tpu.memory_space<vmem>> -> memref<80x32xf32, #tpu.memory_space<vmem>>
      %dma_wait3A_201 = tpu.memref_slice %arg6[%mul3A_195] : memref<10000xi32, #tpu.memory_space<vmem>> -> memref<80xi32, #tpu.memory_space<vmem>>
      %dma_wait3A_202 = arith.constant 0 : i32
      %dma_wait3A_203 = arith.constant 0 : i32
      %dma_wait3A_204 = tpu.memref_slice %arg2[%arg0, %dma_wait3A_202, %dma_wait3A_203] : memref<2x10000x32xf32, #tpu.memory_space<hbm>> -> memref<1x10000x32xf32, #tpu.memory_space<hbm>>
      %dma_wait3A_205 = tpu.memref_squeeze %dma_wait3A_204 : memref<1x10000x32xf32, #tpu.memory_space<hbm>> -> memref<10000x32xf32, #tpu.memory_space<hbm>>
      %dma_wait3A_206 = arith.constant 0 : i32
      %dma_wait3A_207 = arith.constant 0 : i32
      %dma_wait3A_208 = tpu.memref_slice %dma_wait3A_205[%dma_wait3A_206, %dma_wait3A_207] : memref<10000x32xf32, #tpu.memory_space<hbm>> -> memref<10000x32xf32, #tpu.memory_space<hbm>>
      tpu.wait_indirect_dma semaphore(%arg14 : memref<!tpu.dma_semaphore, #tpu.memory_space<semaphore_mem>>) src(%dma_wait3A_208 : memref<10000x32xf32, #tpu.memory_space<hbm>>) dst(%dma_wait3A_200 : memref<80x32xf32, #tpu.memory_space<vmem>>)
      %mul3A_209 = arith.constant 80 : i32
      %mul3A_210 = arith.muli %add3A_193, %mul3A_209 : i32
      %run_scoped3A_211 = arith.constant 4 : i32
      "tpu.region"() ({
        %run_scoped3A_219 = tpu.sem_alloc : memref<!tpu.dma_semaphore, #tpu.memory_space<semaphore_mem>>
        %dma_start3A_220 = arith.constant 0 : i32
        %dma_start3A_221 = arith.constant 0 : i32
        %dma_start3A_222 = tpu.memref_slice %arg8[%run_scoped3A_211, %dma_start3A_220, %dma_start3A_221] : memref<5x80x32xf32, #tpu.memory_space<vmem>> -> memref<1x80x32xf32, #tpu.memory_space<vmem>>
        %dma_start3A_223 = tpu.memref_squeeze %dma_start3A_222 : memref<1x80x32xf32, #tpu.memory_space<vmem>> -> memref<80x32xf32, #tpu.memory_space<vmem>>
        %dma_start3A_224 = tpu.memref_slice %arg7[%mul3A_210] : memref<10000xi32, #tpu.memory_space<vmem>> -> memref<80xi32, #tpu.memory_space<vmem>>
        %dma_start3A_225 = arith.constant 0 : i32
        %dma_start3A_226 = arith.constant 0 : i32
        %dma_start3A_227 = tpu.memref_slice %arg9[%dma_start3A_225, %dma_start3A_226] : memref<10000x32xf32, #tpu.memory_space<vmem_shared>> -> memref<10000x32xf32, #tpu.memory_space<vmem_shared>>
        tpu.enqueue_indirect_dma source(%dma_start3A_223 : memref<80x32xf32, #tpu.memory_space<vmem>>) target(%dma_start3A_227 : memref<10000x32xf32, #tpu.memory_space<vmem_shared>>) offsets(%dma_start3A_224 : memref<80xi32, #tpu.memory_space<vmem>>) semaphore(%run_scoped3A_219 : memref<!tpu.dma_semaphore, #tpu.memory_space<semaphore_mem>>) {add = true}
        %dma_wait3A_228 = arith.constant 0 : i32
        %dma_wait3A_229 = arith.constant 0 : i32
        %dma_wait3A_230 = tpu.memref_slice %arg8[%run_scoped3A_211, %dma_wait3A_228, %dma_wait3A_229] : memref<5x80x32xf32, #tpu.memory_space<vmem>> -> memref<1x80x32xf32, #tpu.memory_space<vmem>>
        %dma_wait3A_231 = tpu.memref_squeeze %dma_wait3A_230 : memref<1x80x32xf32, #tpu.memory_space<vmem>> -> memref<80x32xf32, #tpu.memory_space<vmem>>
        %dma_wait3A_232 = tpu.memref_slice %arg7[%mul3A_210] : memref<10000xi32, #tpu.memory_space<vmem>> -> memref<80xi32, #tpu.memory_space<vmem>>
        %dma_wait3A_233 = arith.constant 0 : i32
        %dma_wait3A_234 = arith.constant 0 : i32
        %dma_wait3A_235 = tpu.memref_slice %arg9[%dma_wait3A_233, %dma_wait3A_234] : memref<10000x32xf32, #tpu.memory_space<vmem_shared>> -> memref<10000x32xf32, #tpu.memory_space<vmem_shared>>
        tpu.wait_indirect_dma semaphore(%run_scoped3A_219 : memref<!tpu.dma_semaphore, #tpu.memory_space<semaphore_mem>>) src(%dma_wait3A_231 : memref<80x32xf32, #tpu.memory_space<vmem>>) dst(%dma_wait3A_235 : memref<10000x32xf32, #tpu.memory_space<vmem_shared>>)
        tpu.yield
      }) : () -> ()
      %add3A_212 = arith.constant 5 : i32
      %add3A_213 = arith.addi %add3A_193, %add3A_212 : i32
      %lt3A_214 = arith.constant 125 : i32
      %lt3A_215 = arith.cmpi slt, %add3A_213, %lt3A_214 : i32
      %convert_element_type3A_216 = arith.extui %lt3A_215 : i1 to i32
      %cond3A_217 = arith.constant 0 : i32
      %cond3A_218 = arith.cmpi ne, %convert_element_type3A_216, %cond3A_217 : i32
      scf.if %cond3A_218 {
        %add3A_219 = arith.constant 5 : i32
        %add3A_220 = arith.addi %add3A_193, %add3A_219 : i32
        %mul3A_221 = arith.constant 80 : i32
        %mul3A_222 = arith.muli %add3A_220, %mul3A_221 : i32
        %dma_start3A_223 = arith.constant 4 : i32
        %dma_start3A_224 = arith.constant 0 : i32
        %dma_start3A_225 = arith.constant 0 : i32
        %dma_start3A_226 = tpu.memref_slice %arg8[%dma_start3A_223, %dma_start3A_224, %dma_start3A_225] : memref<5x80x32xf32, #tpu.memory_space<vmem>> -> memref<1x80x32xf32, #tpu.memory_space<vmem>>
        %dma_start3A_227 = tpu.memref_squeeze %dma_start3A_226 : memref<1x80x32xf32, #tpu.memory_space<vmem>> -> memref<80x32xf32, #tpu.memory_space<vmem>>
        %dma_start3A_228 = tpu.memref_slice %arg6[%mul3A_222] : memref<10000xi32, #tpu.memory_space<vmem>> -> memref<80xi32, #tpu.memory_space<vmem>>
        %dma_start3A_229 = arith.constant 0 : i32
        %dma_start3A_230 = arith.constant 0 : i32
        %dma_start3A_231 = tpu.memref_slice %arg2[%arg0, %dma_start3A_229, %dma_start3A_230] : memref<2x10000x32xf32, #tpu.memory_space<hbm>> -> memref<1x10000x32xf32, #tpu.memory_space<hbm>>
        %dma_start3A_232 = tpu.memref_squeeze %dma_start3A_231 : memref<1x10000x32xf32, #tpu.memory_space<hbm>> -> memref<10000x32xf32, #tpu.memory_space<hbm>>
        %dma_start3A_233 = arith.constant 0 : i32
        %dma_start3A_234 = arith.constant 0 : i32
        %dma_start3A_235 = tpu.memref_slice %dma_start3A_232[%dma_start3A_233, %dma_start3A_234] : memref<10000x32xf32, #tpu.memory_space<hbm>> -> memref<10000x32xf32, #tpu.memory_space<hbm>>
        tpu.enqueue_indirect_dma source(%dma_start3A_235 : memref<10000x32xf32, #tpu.memory_space<hbm>>) target(%dma_start3A_227 : memref<80x32xf32, #tpu.memory_space<vmem>>) offsets(%dma_start3A_228 : memref<80xi32, #tpu.memory_space<vmem>>) semaphore(%arg14 : memref<!tpu.dma_semaphore, #tpu.memory_space<semaphore_mem>>)
      } else {
      }
    }
    %scan3A_79 = arith.constant 25 : i32
    %barrier3A_80 = arith.constant 0 : index
    tpu.barrier barrier_id(%barrier3A_80)
    %mul3A_81 = arith.constant 625 : i32
    %mul3A_82 = arith.muli %arg1, %mul3A_81 : i32
    %mul3A_83 = arith.constant 625 : i32
    %mul3A_84 = arith.muli %arg1, %mul3A_83 : i32
    "tpu.region"() ({
      %run_scoped3A = tpu.sem_alloc : memref<!tpu.dma_semaphore, #tpu.memory_space<semaphore_mem>>
      %dma_start3A_85 = arith.constant 0 : i32
      %dma_start3A_86 = arith.constant 0 : i32
      %dma_start3A_87 = tpu.memref_slice %arg5[%arg0, %dma_start3A_85, %dma_start3A_86] : memref<2x10000x32xf32, #tpu.memory_space<hbm>> -> memref<1x10000x32xf32, #tpu.memory_space<hbm>>
      %dma_start3A_88 = tpu.memref_squeeze %dma_start3A_87 : memref<1x10000x32xf32, #tpu.memory_space<hbm>> -> memref<10000x32xf32, #tpu.memory_space<hbm>>
      %dma_start3A_89 = arith.constant 0 : i32
      %dma_start3A_90 = tpu.memref_slice %dma_start3A_88[%mul3A_84, %dma_start3A_89] : memref<10000x32xf32, #tpu.memory_space<hbm>> -> memref<625x32xf32, #tpu.memory_space<hbm>>
      %dma_start3A_91 = arith.constant 0 : i32
      %dma_start3A_92 = tpu.memref_slice %arg9[%mul3A_82, %dma_start3A_91] : memref<10000x32xf32, #tpu.memory_space<vmem_shared>> -> memref<625x32xf32, #tpu.memory_space<vmem_shared>>
      tpu.enqueue_dma source(%dma_start3A_92 : memref<625x32xf32, #tpu.memory_space<vmem_shared>>) target(%dma_start3A_90 : memref<625x32xf32, #tpu.memory_space<hbm>>) target_semaphore(%run_scoped3A : memref<!tpu.dma_semaphore, #tpu.memory_space<semaphore_mem>>)
      %dma_wait3A = arith.constant 0 : i32
      %dma_wait3A_93 = arith.constant 0 : i32
      %dma_wait3A_94 = tpu.memref_slice %arg5[%arg0, %dma_wait3A, %dma_wait3A_93] : memref<2x10000x32xf32, #tpu.memory_space<hbm>> -> memref<1x10000x32xf32, #tpu.memory_space<hbm>>
      %dma_wait3A_95 = tpu.memref_squeeze %dma_wait3A_94 : memref<1x10000x32xf32, #tpu.memory_space<hbm>> -> memref<10000x32xf32, #tpu.memory_space<hbm>>
      %dma_wait3A_96 = arith.constant 0 : i32
      %dma_wait3A_97 = tpu.memref_slice %dma_wait3A_95[%mul3A_84, %dma_wait3A_96] : memref<10000x32xf32, #tpu.memory_space<hbm>> -> memref<625x32xf32, #tpu.memory_space<hbm>>
      %dma_wait3A_98 = arith.constant 0 : i32
      %dma_wait3A_99 = tpu.memref_slice %arg9[%mul3A_82, %dma_wait3A_98] : memref<10000x32xf32, #tpu.memory_space<vmem_shared>> -> memref<625x32xf32, #tpu.memory_space<vmem_shared>>
      tpu.wait_dma2 semaphore(%run_scoped3A : memref<!tpu.dma_semaphore, #tpu.memory_space<semaphore_mem>>) src(%dma_wait3A_99 : memref<625x32xf32, #tpu.memory_space<vmem_shared>>) dst(%dma_wait3A_97 : memref<625x32xf32, #tpu.memory_space<hbm>>)
      tpu.yield
    }) : () -> ()
    return
  }
}

module attributes {stable_mosaic.version = 14 : i64} {
  func.func @_k2_body(%arg0: i32, %arg1: i32, %arg2: memref<1000x256xbf16, #tpu.memory_space<vmem>>, %arg3: memref<256x128xbf16, #tpu.memory_space<vmem>>, %arg4: memref<1000x32xf32, #tpu.memory_space<vmem>>, %arg5: memref<1x1000x128xf32, #tpu.memory_space<vmem>>) attributes {dimension_semantics = [#tpu.dimension_semantics<arbitrary>, #tpu.dimension_semantics<arbitrary>], iteration_bounds = array<i64: 10, 2>, scalar_prefetch = 0 : i64, scratch_operands = 0 : i64, tpu.core_type = #tpu.core_type<tc>, window_params = [{transform_indices = @transform_0, window_bounds = array<i64: 1000, 256>}, {transform_indices = @transform_1, window_bounds = array<i64: 256, 128>}, {transform_indices = @transform_2, window_bounds = array<i64: 1000, 32>}, {transform_indices = @transform_3, window_bounds = array<i64: 1, 1000, 128>}]} {
    %get3A = arith.constant 0 : index
    %get3A_0 = arith.constant 0 : index
    %get3A_1 = vector.load %arg4[%get3A, %get3A_0] : memref<1000x32xf32, #tpu.memory_space<vmem>>, vector<1000x32xf32>
    %reduce_sum3A = arith.constant dense<0.000000e+00> : vector<1000xf32>
    %reduce_sum3A_2 = vector.multi_reduction <add>, %get3A_1, %reduce_sum3A [1] : vector<1000x32xf32> to vector<1000xf32>
    %broadcast_in_dim3A = vector.shape_cast %reduce_sum3A_2 : vector<1000xf32> to vector<1000x1xf32>
    %add3A = arith.constant 1.000000e+00 : f32
    %add3A_3 = vector.broadcast %add3A : f32 to vector<1000x1xf32>
    %add3A_4 = arith.addf %broadcast_in_dim3A, %add3A_3 : vector<1000x1xf32>
    %rsqrt3A = math.rsqrt %add3A_4 : vector<1000x1xf32>
    %get3A_5 = arith.constant 0 : index
    %get3A_6 = arith.constant 0 : index
    %get3A_7 = vector.load %arg2[%get3A_5, %get3A_6] : memref<1000x256xbf16, #tpu.memory_space<vmem>>, vector<1000x256xbf16>
    %get3A_8 = arith.constant 0 : index
    %get3A_9 = arith.constant 0 : index
    %get3A_10 = vector.load %arg3[%get3A_8, %get3A_9] : memref<256x128xbf16, #tpu.memory_space<vmem>>, vector<256x128xbf16>
    %dot_general3A = arith.constant dense<0.000000e+00> : vector<1000x128xf32>
    %dot_general3A_11 = tpu.matmul %get3A_7, %get3A_10, %dot_general3A {dimension_numbers = #tpu.dot_dimension_numbers<[1], [0], [0], [1], [0, 0, 1, 1], [], []>, transpose_lhs_hint = false} : vector<1000x256xbf16>, vector<256x128xbf16>, vector<1000x128xf32> -> vector<1000x128xf32>
    %mul3A = vector.broadcast %rsqrt3A : vector<1000x1xf32> to vector<1000x128xf32>
    %mul3A_12 = arith.mulf %dot_general3A_11, %mul3A : vector<1000x128xf32>
    %broadcast_in_dim3A_13 = vector.shape_cast %mul3A_12 : vector<1000x128xf32> to vector<1x1000x128xf32>
    %swap3A = arith.constant 0 : index
    %swap3A_14 = arith.constant 0 : index
    %swap3A_15 = arith.constant 0 : index
    %swap3A_16 = vector.load %arg5[%swap3A, %swap3A_14, %swap3A_15] : memref<1x1000x128xf32, #tpu.memory_space<vmem>>, vector<1x1000x128xf32>
    tpu.vector_store %arg5[%swap3A, %swap3A_14, %swap3A_15], %broadcast_in_dim3A_13 {strides = array<i32>} : memref<1x1000x128xf32, #tpu.memory_space<vmem>>, vector<1x1000x128xf32>,
    return
  }
  func.func @transform_0(%arg0: i32, %arg1: i32) -> (i32, i32) {
    %c0_i32 = arith.constant 0 : i32
    %c0_i32_0 = arith.constant 0 : i32
    return %arg0, %c0_i32 : i32, i32
  }
  func.func @transform_1(%arg0: i32, %arg1: i32) -> (i32, i32) {
    %c0_i32 = arith.constant 0 : i32
    %c0_i32_0 = arith.constant 0 : i32
    return %c0_i32, %arg1 : i32, i32
  }
  func.func @transform_2(%arg0: i32, %arg1: i32) -> (i32, i32) {
    %c0_i32 = arith.constant 0 : i32
    %c0_i32_0 = arith.constant 0 : i32
    return %arg0, %c0_i32 : i32, i32
  }
  func.func @transform_3(%arg0: i32, %arg1: i32) -> (i32, i32, i32) {
    %c0_i32 = arith.constant 0 : i32
    %c0_i32_0 = arith.constant 0 : i32
    return %arg1, %arg0, %c0_i32 : i32, i32, i32
  }
}

module attributes {stable_mosaic.version = 14 : i64} {
  func.func @_k4_body(%arg0: i32, %arg1: i32, %arg2: memref<1x1000x128xf32, #tpu.memory_space<vmem>>, %arg3: memref<1x1000x128xf32, #tpu.memory_space<vmem>>, %arg4: memref<1000x32xf32, #tpu.memory_space<vmem>>, %arg5: memref<1x256xf32, #tpu.memory_space<vmem>>, %arg6: memref<1x128x32xbf16, #tpu.memory_space<vmem>>, %arg7: memref<1x128x32xbf16, #tpu.memory_space<vmem>>, %arg8: memref<1x1000x32xf32, #tpu.memory_space<vmem>>) attributes {dimension_semantics = [#tpu.dimension_semantics<arbitrary>, #tpu.dimension_semantics<arbitrary>], iteration_bounds = array<i64: 10, 2>, scalar_prefetch = 0 : i64, scratch_operands = 0 : i64, tpu.core_type = #tpu.core_type<tc>, window_params = [{transform_indices = @transform_0, window_bounds = array<i64: 1, 1000, 128>}, {transform_indices = @transform_1, window_bounds = array<i64: 1, 1000, 128>}, {transform_indices = @transform_2, window_bounds = array<i64: 1000, 32>}, {pipeline_mode = #tpu.pipeline_mode<synchronous>, transform_indices = @transform_3, window_bounds = array<i64: 1, 256>}, {transform_indices = @transform_4, window_bounds = array<i64: 1, 128, 32>}, {transform_indices = @transform_5, window_bounds = array<i64: 1, 128, 32>}, {transform_indices = @transform_6, window_bounds = array<i64: 1, 1000, 32>}]} {
    %get3A = arith.constant 0 : index
    %get3A_0 = arith.constant 0 : index
    %get3A_1 = vector.load %arg4[%get3A, %get3A_0] : memref<1000x32xf32, #tpu.memory_space<vmem>>, vector<1000x32xf32>
    %reduce_sum3A = arith.constant dense<0.000000e+00> : vector<1000xf32>
    %reduce_sum3A_2 = vector.multi_reduction <add>, %get3A_1, %reduce_sum3A [1] : vector<1000x32xf32> to vector<1000xf32>
    %broadcast_in_dim3A = vector.shape_cast %reduce_sum3A_2 : vector<1000xf32> to vector<1000x1xf32>
    %add3A = arith.constant 1.000000e+00 : f32
    %add3A_3 = vector.broadcast %add3A : f32 to vector<1000x1xf32>
    %add3A_4 = arith.addf %broadcast_in_dim3A, %add3A_3 : vector<1000x1xf32>
    %rsqrt3A = math.rsqrt %add3A_4 : vector<1000x1xf32>
    %get3A_5 = arith.constant 0 : index
    %get3A_6 = arith.constant 0 : index
    %get3A_7 = vector.load %arg5[%get3A_5, %get3A_6] : memref<1x256xf32, #tpu.memory_space<vmem>>, vector<1x256xf32>
    %get3A_8 = arith.constant 0 : index
    %get3A_9 = arith.constant 0 : index
    %get3A_10 = arith.constant 0 : index
    %get3A_11 = vector.load %arg2[%get3A_8, %get3A_9, %get3A_10] : memref<1x1000x128xf32, #tpu.memory_space<vmem>>, vector<1x1000x128xf32>
    %get3A_12 = vector.shape_cast %get3A_11 : vector<1x1000x128xf32> to vector<1000x128xf32>
    %mul3A = vector.broadcast %rsqrt3A : vector<1000x1xf32> to vector<1000x128xf32>
    %mul3A_13 = arith.mulf %mul3A, %get3A_12 : vector<1000x128xf32>
    %slice3A = vector.extract_strided_slice %get3A_7 {offsets = [0, 0], sizes = [1, 128], strides = [1, 1]} : vector<1x256xf32> to vector<1x128xf32>
    %add3A_14 = vector.broadcast %slice3A : vector<1x128xf32> to vector<1000x128xf32>
    %add3A_15 = arith.addf %mul3A_13, %add3A_14 : vector<1000x128xf32>
    %max3A = arith.constant 0.000000e+00 : f32
    %max3A_16 = vector.broadcast %max3A : f32 to vector<1000x128xf32>
    %max3A_17 = arith.maximumf %add3A_15, %max3A_16 : vector<1000x128xf32>
    %get3A_18 = arith.constant 0 : index
    %get3A_19 = arith.constant 0 : index
    %get3A_20 = arith.constant 0 : index
    %get3A_21 = vector.load %arg3[%get3A_18, %get3A_19, %get3A_20] : memref<1x1000x128xf32, #tpu.memory_space<vmem>>, vector<1x1000x128xf32>
    %get3A_22 = vector.shape_cast %get3A_21 : vector<1x1000x128xf32> to vector<1000x128xf32>
    %mul3A_23 = vector.broadcast %rsqrt3A : vector<1000x1xf32> to vector<1000x128xf32>
    %mul3A_24 = arith.mulf %mul3A_23, %get3A_22 : vector<1000x128xf32>
    %slice3A_25 = vector.extract_strided_slice %get3A_7 {offsets = [0, 128], sizes = [1, 128], strides = [1, 1]} : vector<1x256xf32> to vector<1x128xf32>
    %add3A_26 = vector.broadcast %slice3A_25 : vector<1x128xf32> to vector<1000x128xf32>
    %add3A_27 = arith.addf %mul3A_24, %add3A_26 : vector<1000x128xf32>
    %max3A_28 = arith.constant 0.000000e+00 : f32
    %max3A_29 = vector.broadcast %max3A_28 : f32 to vector<1000x128xf32>
    %max3A_30 = arith.maximumf %add3A_27, %max3A_29 : vector<1000x128xf32>
    %convert_element_type3A = arith.truncf %max3A_17 : vector<1000x128xf32> to vector<1000x128xbf16>
    %get3A_31 = arith.constant 0 : index
    %get3A_32 = arith.constant 0 : index
    %get3A_33 = arith.constant 0 : index
    %get3A_34 = vector.load %arg6[%get3A_31, %get3A_32, %get3A_33] : memref<1x128x32xbf16, #tpu.memory_space<vmem>>, vector<1x128x32xbf16>
    %get3A_35 = vector.shape_cast %get3A_34 : vector<1x128x32xbf16> to vector<128x32xbf16>
    %dot_general3A = arith.constant dense<0.000000e+00> : vector<1000x32xf32>
    %dot_general3A_36 = tpu.matmul %convert_element_type3A, %get3A_35, %dot_general3A {dimension_numbers = #tpu.dot_dimension_numbers<[1], [0], [0], [1], [0, 0, 1, 1], [], []>, transpose_lhs_hint = false} : vector<1000x128xbf16>, vector<128x32xbf16>, vector<1000x32xf32> -> vector<1000x32xf32>
    %convert_element_type3A_37 = arith.truncf %max3A_30 : vector<1000x128xf32> to vector<1000x128xbf16>
    %get3A_38 = arith.constant 0 : index
    %get3A_39 = arith.constant 0 : index
    %get3A_40 = arith.constant 0 : index
    %get3A_41 = vector.load %arg7[%get3A_38, %get3A_39, %get3A_40] : memref<1x128x32xbf16, #tpu.memory_space<vmem>>, vector<1x128x32xbf16>
    %get3A_42 = vector.shape_cast %get3A_41 : vector<1x128x32xbf16> to vector<128x32xbf16>
    %dot_general3A_43 = arith.constant dense<0.000000e+00> : vector<1000x32xf32>
    %dot_general3A_44 = tpu.matmul %convert_element_type3A_37, %get3A_42, %dot_general3A_43 {dimension_numbers = #tpu.dot_dimension_numbers<[1], [0], [0], [1], [0, 0, 1, 1], [], []>, transpose_lhs_hint = false} : vector<1000x128xbf16>, vector<128x32xbf16>, vector<1000x32xf32> -> vector<1000x32xf32>
    %add3A_45 = arith.addf %dot_general3A_36, %dot_general3A_44 : vector<1000x32xf32>
    %mul3A_46 = vector.broadcast %rsqrt3A : vector<1000x1xf32> to vector<1000x32xf32>
    %mul3A_47 = arith.mulf %mul3A_46, %add3A_45 : vector<1000x32xf32>
    %broadcast_in_dim3A_48 = vector.shape_cast %mul3A_47 : vector<1000x32xf32> to vector<1x1000x32xf32>
    %swap3A = arith.constant 0 : index
    %swap3A_49 = arith.constant 0 : index
    %swap3A_50 = arith.constant 0 : index
    %swap3A_51 = vector.load %arg8[%swap3A, %swap3A_49, %swap3A_50] : memref<1x1000x32xf32, #tpu.memory_space<vmem>>, vector<1x1000x32xf32>
    tpu.vector_store %arg8[%swap3A, %swap3A_49, %swap3A_50], %broadcast_in_dim3A_48 {strides = array<i32>} : memref<1x1000x32xf32, #tpu.memory_space<vmem>>, vector<1x1000x32xf32>,
    return
  }
  func.func @transform_0(%arg0: i32, %arg1: i32) -> (i32, i32, i32) {
    %c0_i32 = arith.constant 0 : i32
    %c0_i32_0 = arith.constant 0 : i32
    %c0_i32_1 = arith.constant 0 : i32
    return %c0_i32, %arg0, %c0_i32_0 : i32, i32, i32
  }
  func.func @transform_1(%arg0: i32, %arg1: i32) -> (i32, i32, i32) {
    %c1_i32 = arith.constant 1 : i32
    %c0_i32 = arith.constant 0 : i32
    %c0_i32_0 = arith.constant 0 : i32
    return %c1_i32, %arg0, %c0_i32 : i32, i32, i32
  }
  func.func @transform_2(%arg0: i32, %arg1: i32) -> (i32, i32) {
    %c0_i32 = arith.constant 0 : i32
    %c0_i32_0 = arith.constant 0 : i32
    return %arg0, %c0_i32 : i32, i32
  }
  func.func @transform_3(%arg0: i32, %arg1: i32) -> (i32, i32) {
    %c0_i32 = arith.constant 0 : i32
    %c0_i32_0 = arith.constant 0 : i32
    %c0_i32_1 = arith.constant 0 : i32
    return %c0_i32, %c0_i32_0 : i32, i32
  }
  func.func @transform_4(%arg0: i32, %arg1: i32) -> (i32, i32, i32) {
    %c0_i32 = arith.constant 0 : i32
    %c0_i32_0 = arith.constant 0 : i32
    %c0_i32_1 = arith.constant 0 : i32
    return %arg1, %c0_i32, %c0_i32_0 : i32, i32, i32
  }
  func.func @transform_5(%arg0: i32, %arg1: i32) -> (i32, i32, i32) {
    %c0_i32 = arith.constant 0 : i32
    %c0_i32_0 = arith.constant 0 : i32
    %c0_i32_1 = arith.constant 0 : i32
    return %arg1, %c0_i32, %c0_i32_0 : i32, i32, i32
  }
  func.func @transform_6(%arg0: i32, %arg1: i32) -> (i32, i32, i32) {
    %c0_i32 = arith.constant 0 : i32
    %c0_i32_0 = arith.constant 0 : i32
    return %arg1, %arg0, %c0_i32 : i32, i32, i32
  }
}

module attributes {stable_mosaic.version = 14 : i64} {
  func.func @_k6_body(%arg0: i32, %arg1: memref<1x1000x32xf32, #tpu.memory_space<vmem>>, %arg2: memref<1x1000x32xf32, #tpu.memory_space<vmem>>, %arg3: memref<1000x32xf32, #tpu.memory_space<vmem>>, %arg4: memref<1x64xf32, #tpu.memory_space<vmem>>, %arg5: memref<32x40xf32, #tpu.memory_space<vmem>>, %arg6: memref<32x40xf32, #tpu.memory_space<vmem>>, %arg7: memref<1000x40xf32, #tpu.memory_space<vmem>>) attributes {dimension_semantics = [#tpu.dimension_semantics<arbitrary>], iteration_bounds = array<i64: 10>, scalar_prefetch = 0 : i64, scratch_operands = 0 : i64, tpu.core_type = #tpu.core_type<tc>, window_params = [{transform_indices = @transform_0, window_bounds = array<i64: 1, 1000, 32>}, {transform_indices = @transform_1, window_bounds = array<i64: 1, 1000, 32>}, {transform_indices = @transform_2, window_bounds = array<i64: 1000, 32>}, {pipeline_mode = #tpu.pipeline_mode<synchronous>, transform_indices = @transform_3, window_bounds = array<i64: 1, 64>}, {pipeline_mode = #tpu.pipeline_mode<synchronous>, transform_indices = @transform_4, window_bounds = array<i64: 32, 40>}, {pipeline_mode = #tpu.pipeline_mode<synchronous>, transform_indices = @transform_5, window_bounds = array<i64: 32, 40>}, {transform_indices = @transform_6, window_bounds = array<i64: 1000, 40>}]} {
    %get3A = arith.constant 0 : index
    %get3A_0 = arith.constant 0 : index
    %get3A_1 = vector.load %arg3[%get3A, %get3A_0] : memref<1000x32xf32, #tpu.memory_space<vmem>>, vector<1000x32xf32>
    %reduce_sum3A = arith.constant dense<0.000000e+00> : vector<1000xf32>
    %reduce_sum3A_2 = vector.multi_reduction <add>, %get3A_1, %reduce_sum3A [1] : vector<1000x32xf32> to vector<1000xf32>
    %broadcast_in_dim3A = vector.shape_cast %reduce_sum3A_2 : vector<1000xf32> to vector<1000x1xf32>
    %add3A = arith.constant 1.000000e+00 : f32
    %add3A_3 = vector.broadcast %add3A : f32 to vector<1000x1xf32>
    %add3A_4 = arith.addf %broadcast_in_dim3A, %add3A_3 : vector<1000x1xf32>
    %rsqrt3A = math.rsqrt %add3A_4 : vector<1000x1xf32>
    %get3A_5 = arith.constant 0 : index
    %get3A_6 = arith.constant 0 : index
    %get3A_7 = vector.load %arg4[%get3A_5, %get3A_6] : memref<1x64xf32, #tpu.memory_space<vmem>>, vector<1x64xf32>
    %get3A_8 = arith.constant 0 : index
    %get3A_9 = arith.constant 0 : index
    %get3A_10 = arith.constant 0 : index
    %get3A_11 = vector.load %arg1[%get3A_8, %get3A_9, %get3A_10] : memref<1x1000x32xf32, #tpu.memory_space<vmem>>, vector<1x1000x32xf32>
    %get3A_12 = vector.shape_cast %get3A_11 : vector<1x1000x32xf32> to vector<1000x32xf32>
    %mul3A = vector.broadcast %rsqrt3A : vector<1000x1xf32> to vector<1000x32xf32>
    %mul3A_13 = arith.mulf %mul3A, %get3A_12 : vector<1000x32xf32>
    %slice3A = vector.extract_strided_slice %get3A_7 {offsets = [0, 0], sizes = [1, 32], strides = [1, 1]} : vector<1x64xf32> to vector<1x32xf32>
    %add3A_14 = vector.broadcast %slice3A : vector<1x32xf32> to vector<1000x32xf32>
    %add3A_15 = arith.addf %mul3A_13, %add3A_14 : vector<1000x32xf32>
    %get3A_16 = arith.constant 0 : index
    %get3A_17 = arith.constant 0 : index
    %get3A_18 = arith.constant 0 : index
    %get3A_19 = vector.load %arg2[%get3A_16, %get3A_17, %get3A_18] : memref<1x1000x32xf32, #tpu.memory_space<vmem>>, vector<1x1000x32xf32>
    %get3A_20 = vector.shape_cast %get3A_19 : vector<1x1000x32xf32> to vector<1000x32xf32>
    %mul3A_21 = vector.broadcast %rsqrt3A : vector<1000x1xf32> to vector<1000x32xf32>
    %mul3A_22 = arith.mulf %mul3A_21, %get3A_20 : vector<1000x32xf32>
    %slice3A_23 = vector.extract_strided_slice %get3A_7 {offsets = [0, 32], sizes = [1, 32], strides = [1, 1]} : vector<1x64xf32> to vector<1x32xf32>
    %add3A_24 = vector.broadcast %slice3A_23 : vector<1x32xf32> to vector<1000x32xf32>
    %add3A_25 = arith.addf %mul3A_22, %add3A_24 : vector<1000x32xf32>
    %get3A_26 = arith.constant 0 : index
    %get3A_27 = arith.constant 0 : index
    %get3A_28 = vector.load %arg5[%get3A_26, %get3A_27] : memref<32x40xf32, #tpu.memory_space<vmem>>, vector<32x40xf32>
    %dot_general3A = arith.constant dense<0.000000e+00> : vector<1000x40xf32>
    %dot_general3A_29 = tpu.matmul %add3A_15, %get3A_28, %dot_general3A {dimension_numbers = #tpu.dot_dimension_numbers<[1], [0], [0], [1], [0, 0, 1, 1], [], []>, transpose_lhs_hint = false} : vector<1000x32xf32>, vector<32x40xf32>, vector<1000x40xf32> -> vector<1000x40xf32>
    %get3A_30 = arith.constant 0 : index
    %get3A_31 = arith.constant 0 : index
    %get3A_32 = vector.load %arg6[%get3A_30, %get3A_31] : memref<32x40xf32, #tpu.memory_space<vmem>>, vector<32x40xf32>
    %dot_general3A_33 = arith.constant dense<0.000000e+00> : vector<1000x40xf32>
    %dot_general3A_34 = tpu.matmul %add3A_25, %get3A_32, %dot_general3A_33 {dimension_numbers = #tpu.dot_dimension_numbers<[1], [0], [0], [1], [0, 0, 1, 1], [], []>, transpose_lhs_hint = false} : vector<1000x32xf32>, vector<32x40xf32>, vector<1000x40xf32> -> vector<1000x40xf32>
    %add3A_35 = arith.addf %dot_general3A_29, %dot_general3A_34 : vector<1000x40xf32>
    %reduce_max3A = arith.constant dense<0xFF800000> : vector<1000xf32>
    %reduce_max3A_36 = vector.multi_reduction <maximumf>, %add3A_35, %reduce_max3A [1] : vector<1000x40xf32> to vector<1000xf32>
    %broadcast_in_dim3A_37 = vector.shape_cast %reduce_max3A_36 : vector<1000xf32> to vector<1000x1xf32>
    %sub3A = vector.broadcast %broadcast_in_dim3A_37 : vector<1000x1xf32> to vector<1000x40xf32>
    %sub3A_38 = arith.subf %add3A_35, %sub3A : vector<1000x40xf32>
    %exp3A = math.exp %sub3A_38 : vector<1000x40xf32>
    %reduce_sum3A_39 = arith.constant dense<0.000000e+00> : vector<1000xf32>
    %reduce_sum3A_40 = vector.multi_reduction <add>, %exp3A, %reduce_sum3A_39 [1] : vector<1000x40xf32> to vector<1000xf32>
    %broadcast_in_dim3A_41 = vector.shape_cast %reduce_sum3A_40 : vector<1000xf32> to vector<1000x1xf32>
    %log3A = math.log %broadcast_in_dim3A_41 : vector<1000x1xf32>
    %sub3A_42 = vector.broadcast %broadcast_in_dim3A_37 : vector<1000x1xf32> to vector<1000x40xf32>
    %sub3A_43 = arith.subf %add3A_35, %sub3A_42 : vector<1000x40xf32>
    %sub3A_44 = vector.broadcast %log3A : vector<1000x1xf32> to vector<1000x40xf32>
    %sub3A_45 = arith.subf %sub3A_43, %sub3A_44 : vector<1000x40xf32>
    %swap3A = arith.constant 0 : index
    %swap3A_46 = arith.constant 0 : index
    %swap3A_47 = vector.load %arg7[%swap3A, %swap3A_46] : memref<1000x40xf32, #tpu.memory_space<vmem>>, vector<1000x40xf32>
    tpu.vector_store %arg7[%swap3A, %swap3A_46], %sub3A_45 {strides = array<i32>} : memref<1000x40xf32, #tpu.memory_space<vmem>>, vector<1000x40xf32>,
    return
  }
  func.func @transform_0(%arg0: i32) -> (i32, i32, i32) {
    %c0_i32 = arith.constant 0 : i32
    %c0_i32_0 = arith.constant 0 : i32
    %c0_i32_1 = arith.constant 0 : i32
    return %c0_i32, %arg0, %c0_i32_0 : i32, i32, i32
  }
  func.func @transform_1(%arg0: i32) -> (i32, i32, i32) {
    %c1_i32 = arith.constant 1 : i32
    %c0_i32 = arith.constant 0 : i32
    %c0_i32_0 = arith.constant 0 : i32
    return %c1_i32, %arg0, %c0_i32 : i32, i32, i32
  }
  func.func @transform_2(%arg0: i32) -> (i32, i32) {
    %c0_i32 = arith.constant 0 : i32
    %c0_i32_0 = arith.constant 0 : i32
    return %arg0, %c0_i32 : i32, i32
  }
  func.func @transform_3(%arg0: i32) -> (i32, i32) {
    %c0_i32 = arith.constant 0 : i32
    %c0_i32_0 = arith.constant 0 : i32
    %c0_i32_1 = arith.constant 0 : i32
    return %c0_i32, %c0_i32_0 : i32, i32
  }
  func.func @transform_4(%arg0: i32) -> (i32, i32) {
    %c0_i32 = arith.constant 0 : i32
    %c0_i32_0 = arith.constant 0 : i32
    %c0_i32_1 = arith.constant 0 : i32
    return %c0_i32, %c0_i32_0 : i32, i32
  }
  func.func @transform_5(%arg0: i32) -> (i32, i32) {
    %c0_i32 = arith.constant 0 : i32
    %c0_i32_0 = arith.constant 0 : i32
    %c0_i32_1 = arith.constant 0 : i32
    return %c0_i32, %c0_i32_0 : i32, i32
  }
  func.func @transform_6(%arg0: i32) -> (i32, i32) {
    %c0_i32 = arith.constant 0 : i32
    %c0_i32_0 = arith.constant 0 : i32
    return %arg0, %c0_i32 : i32, i32
  }
}

</mosaic_0001>

<sc_bundles>
// kernel: kernel.11.cloned.1.call-start
scs
__scs_entry_jumppad:
0x0: {  	(pc) =	sbr.rel $0x88, $3  }
0x1: {  	(tag) =	ssettag $0x0;
	lr =	simm.s32 $0x1  }
0x2: {  	[smem:$0x3F9A] =	sst lr;
	_ =	strace $0xD0000000  }
0x3: {  	_ = 	snop  }
0x4: {  	_ = 	snop  }
0x5: {  	_ = 	snop  }
0x6: {  	_ = 	snop  }
0x7: {  	_ = 	snop  }
__scs_overlays_trampoline_lowered:
0x8: {  	[smem:$0x3FA9] =	sst s0  }
0x9: {  	[smem:$0x3FAA] =	sst s1  }
0xa: {  	[smem:$0x3FAB] =	sst s2  }
0xb: {  	[smem:$0x3FAC] =	sst s3  }
0xc: {  	[smem:$0x3FAD] =	sst s4  }
0xd: {  	[smem:$0x3FAE] =	sst s5  }
0xe: {  	[smem:$0x3FAF] =	sst s6  }
0xf: {  	[smem:$0x3FB0] =	sst s7  }
0x10: {  	[smem:$0x3FB1] =	sst s8  }
0x11: {  	[smem:$0x3FB2] =	sst s9;
	s0 =	simm.s32 @!p0 $0x0  }
0x12: {  	s1 =	sld [smem:$0x3F98];
	s0 =	simm.s32 @p0 $0x1  }
0x13: {  	[smem:$0x3FB3] =	sst s0;
	s0 =	simm.s32 @!p1 $0x0  }
0x14: {  	s2 =	sld [smem:$0x3F97];
	s0 =	simm.s32 @p1 $0x1  }
0x15: {  	[smem:$0x3FB4] =	sst s0;
	s0 =	simm.s32 @!p2 $0x0  }
0x16: {  	s3 =	sld [smem:$0x3FDB];
	s0 =	simm.s32 @p2 $0x1  }
0x17: {  	s4 =	simm.s32 $0x1BF5;
	[smem:$0x3FB6] =	sst s0  }
0x18: {  	s0 =	sld [smem:$0x3F99];
	_ =	swait.ge [sflag:s4], $0x0  }
0x19: {  	s7 =	sld [smem:$0x3F9A]  }
0x1a: {  	s8 =	sadd.s32 $0xFFFFE003, lr  }
0x1b: {  	s9 =	sadd.s32 $0xFFFFFEF7, lr;
	s5 =	simm.s32 $0xFFFFFFFF;
	p2 =	slt.u32 s8, $0xFFFFF086  }
0x1c: {  	p1 =	slt.u32 s9, $0xF7A;
	s5 =	simm.s32 @!p2 $0x0  }
0x1d: {  	s5 =	simm.s32 @p1 $0x1;
	p0 =	seq.s32 s7, s2  }
0x1e: {  	s7 =	smul.u32 @!p0 $0xF7A, s2;
	p2 =	seq.s32 @!p0 s5, $0x0  }
0x1f: {  	s9 =	smul.u32 $0xF7A, s1;
	s8 =	simm.s32 @!p0 $0x1BF5;
	p2 =	por !p2, p0  }
0x20: {  	[sflag:s8] =	ssyncset.s32 @!p0 $0xFFFFF086;
	s6 =	sadd.s32 @!p0 s3, s7;
	s7 =	simm.s32 @!p0 $0x108  }
0x21: {  	s3 =	sadd.s32 s3, s9;
	s6 =	sadd.s32 @!p0 $0x88, s6;
	s7 =	simm.s32 @p2 $0x1082  }
0x22: {  	[simem:s7], [sflag:s8] =	dma.local @!p0 [hbm:s6], $0xF7A  }
0x23: {  	s9 =	sor.u32 $0xD0000000, s2;
	s6 =	simm.s32 $0x108;
	_ =	swait.ge @!p0 [sflag:s8], $0x0  }
0x24: {  	s3 =	sadd.s32 $0x88, s3;
	s6 =	simm.s32 @!p1 $0x1082;
	[sflag:s4] =	ssyncset.s32 $0xFFFFF086  }
0x25: {  	[simem:s6], [sflag:s4] =	dma.local [hbm:s3], $0xF7A  }
0x26: {  	[smem:$0x3F9A] =	sst s1;
	(tag) =	ssettag s2;
	_ =	strace s9  }
0x27: {  	s1 =	sld [smem:$0x3FAA]  }
0x28: {  	s2 =	sld [smem:$0x3FAB]  }
0x29: {  	s4 =	sld [smem:$0x3FAD]  }
0x2a: {  	p0 =	seq.s32 s5, $0x0;
	s5 =	sld [smem:$0x3FAE]  }
0x2b: {  	s6 =	sld [smem:$0x3FAF]  }
0x2c: {  	s7 =	sld [smem:$0x3FB0]  }
0x2d: {  	s3 =	simm.s32 $0x108;
	s8 =	sld [smem:$0x3FB1]  }
0x2e: {  	s3 =	simm.s32 @!p0 $0x1082;
	s9 =	sld [smem:$0x3FB2]  }
0x2f: {  	lr =	sadd.s32 s0, s3;
	s0 =	sld [smem:$0x3FA9]  }
0x30: {  	s3 =	sld [smem:$0x3FAC]  }
0x31: {  	[smem:$0x3FB5] =	sst s10  }
0x32: {  	s10 =	sld [smem:$0x3FB3];
	_ =	sdelay $0x3  }
0x33: {  	p0 =	seq.s32 s10, $0x1;
	s10 =	sld [smem:$0x3FB5];
	_ =	sdelay $0x3  }
0x34: {  	[smem:$0x3FB5] =	sst s10  }
0x35: {  	s10 =	sld [smem:$0x3FB4];
	_ =	sdelay $0x3  }
0x36: {  	p1 =	seq.s32 s10, $0x1;
	s10 =	sld [smem:$0x3FB5];
	_ =	sdelay $0x3  }
0x37: {  	[smem:$0x3FB5] =	sst s10  }
0x38: {  	s10 =	sld [smem:$0x3FB6]  }
0x39: {  	_ = 	snop;
	(pc) =	sbr.ind lr, $3  }
0x3a: {  	_ = 	snop  }
0x3b: {  	_ = 	snop  }
0x3c: {  	p2 =	seq.s32 s10, $0x1;
	s10 =	sld [smem:$0x3FB5]  }
0x3d: {  	_ =	shalt  }
0x3e: {  	_ =	shalt  }
0x3f: {  	_ =	shalt  }
0x40: {  	_ =	shalt  }
0x41: {  	_ =	shalt  }
0x42: {  	_ =	shalt  }
0x43: {  	_ =	shalt  }
0x44: {  	_ =	shalt  }
0x45: {  	_ =	shalt  }
0x46: {  	_ =	shalt  }
0x47: {  	_ =	shalt  }
0x48: {  	_ =	shalt  }
0x49: {  	_ =	shalt  }
0x4a: {  	_ =	shalt  }
0x4b: {  	_ =	shalt  }
0x4c: {  	_ =	shalt  }
0x4d: {  	_ =	shalt  }
0x4e: {  	_ =	shalt  }
0x4f: {  	_ =	shalt  }
0x50: {  	_ =	shalt  }
0x51: {  	_ =	shalt  }
0x52: {  	_ =	shalt  }
0x53: {  	_ =	shalt  }
0x54: {  	_ =	shalt  }
0x55: {  	_ =	shalt  }
0x56: {  	_ =	shalt  }
0x57: {  	_ =	shalt  }
0x58: {  	_ =	shalt  }
0x59: {  	_ =	shalt  }
0x5a: {  	_ =	shalt  }
0x5b: {  	_ =	shalt  }
0x5c: {  	_ =	shalt  }
0x5d: {  	_ =	shalt  }
0x5e: {  	_ =	shalt  }
0x5f: {  	_ =	shalt  }
0x60: {  	_ =	shalt  }
0x61: {  	_ =	shalt  }
0x62: {  	_ =	shalt  }
0x63: {  	_ =	shalt  }
0x64: {  	_ =	shalt  }
0x65: {  	_ =	shalt  }
0x66: {  	_ =	shalt  }
0x67: {  	_ =	shalt  }
0x68: {  	_ =	shalt  }
0x69: {  	_ =	shalt  }
0x6a: {  	_ =	shalt  }
0x6b: {  	_ =	shalt  }
0x6c: {  	_ =	shalt  }
0x6d: {  	_ =	shalt  }
0x6e: {  	_ =	shalt  }
0x6f: {  	_ =	shalt  }
0x70: {  	_ =	shalt  }
0x71: {  	_ =	shalt  }
0x72: {  	_ =	shalt  }
0x73: {  	_ =	shalt  }
0x74: {  	_ =	shalt  }
0x75: {  	_ =	shalt  }
0x76: {  	_ =	shalt  }
0x77: {  	_ =	shalt  }
0x78: {  	_ =	shalt  }
0x79: {  	_ =	shalt  }
0x7a: {  	_ =	shalt  }
0x7b: {  	_ =	shalt  }
0x7c: {  	_ =	shalt  }
0x7d: {  	_ =	shalt  }
0x7e: {  	_ =	shalt  }
0x7f: {  	_ =	shalt  }
0x80: {  	_ =	shalt  }
0x81: {  	_ =	shalt  }
0x82: {  	_ =	shalt  }
0x83: {  	_ =	shalt  }
0x84: {  	_ =	shalt  }
0x85: {  	_ =	shalt  }
0x86: {  	_ =	shalt  }
0x87: {  	_ =	shalt  }
.Lfunc_end0:
.L_simem_size_0:
called_computation.1_lowered:
.L_overlay_start_0:
0x88: {  	s2 =	sld [smem:$0x3FD9]  }
0x89: {  	s3 =	sld [smem:$0x3FFE];
	_ =	sdelay $0x1  }
0x8a: {  	s1 =	srdreg.scid  }
0x8b: {  	s0 =	sand.u32 $0x1, s1  }
0x8c: {  	s16 =	sshll.u32 s0, $0xA;
	s2 =	sadd.s32 s3, s2  }
0x8d: {  	s2 =	sadd.s32 s2, s16  }
0x8e: {  	[smem:$0x3FC1] =	sst s2  }
0x8f: {  	_ = 	snop  }
0x90: {  	(tm) =	ssettm $0x1  }
0x91: {  	s17 =	sld [smem:$0x3FFB];
	_ =	sdelay $0x3  }
0x92: {  	_ =	strace s17  }
0x93: {  	s2 =	sld [smem:$0x3FFC];
	_ =	sdelay $0x3  }
0x94: {  	_ =	strace s2  }
0x95: {  	s2 =	sld [smem:$0x3FFD];
	_ =	sdelay $0x3  }
0x96: {  	_ =	strace s2  }
0x97: {  	_ =	strace $0x8FFFFFFF  }
0x98: {  	s18 =	sld [smem:$0x3FDB];
	_ =	sdelay $0x1  }
0x99: {  	s19 =	simm.s32 $_scs_section_size  }
0x9a: {  	s4 =	simm.s32 $_size__tile_overlayer_lowered;
	s5 =	simm.s32 $_tile_overlayer_lowered  }
0x9b: {  	s22 =	simm.s32 $0x1BFF;
	s21 =	sshll.u32 s5, $0x1;
	s2 =	sadd.s32 s19, s18  }
0x9c: {  	s6 =	simm.s32 $0x0;
	s20 =	sshll.u32 s4, $0x1;
	s4 =	sadd.s32 s21, s2  }
0x9d: {  	[timem:s6], [sflag:s22] =	dma.local [hbm:s4], s20  }
0x9e: {  	_ =	swait.ge [sflag:s22], s20  }
0x9f: {  	s3 =	ssub.s32 $0x0, s20;
	[sflag:s22] =	ssyncset.done $0x0  }
0xa0: {  	[sflag:s22] =	ssyncadd.s32 s3;
	_ =	sdelay $0x1  }
0xa1: {  	s23 =	simm.s32 $0x1B8B  }
0xa2: {  	_ =	swait.ge [sflag:s23], $0x1  }
0xa3: {  	[sflag:s23] =	ssyncset.done $0x0  }
0xa4: {  	s25 =	simm.s32 $0x1B8E;
	s24 =	sld [smem:$0x3FFE];
	[sflag:s23] =	ssyncadd.s32 $0xFFFFFFFF  }
0xa5: {  	s26 =	simm.s32 $execute0_lowered;
	[smem:$0x3FD2] =	sst s25  }
0xa6: {  	s4 =	sshll.u32 s26, $0x1;
	_ =	strace $0x80000049;
	[dreg:$0x1] =	wrdreg $0xFFFFFFFF  }
0xa7: {  	s28 =	simm.s32 $_size_execute0_lowered;
	s2 =	sadd.s32 s2, s4;
	[dreg:$0x0] =	wrdreg $0x0  }
0xa8: {  	s4 =	sshll.u32 s28, $0x1;
	[dreg:$0x2] =	wrdreg s2  }
0xa9: {  	[dreg:$0x3] =	wrdreg s4  }
0xaa: {  	[dreg:$0x4] =	wrdreg $0xC0  }
0xab: {  	_ =	task [dreg:s6], $0x5FFFF  }
0xac: {  	[dreg:$0x1] =	wrdreg $0xFFFFFFFF  }
0xad: {  	[dreg:$0x0] =	wrdreg $0x60  }
0xae: {  	[dreg:$0x2] =	wrdreg s24  }
0xaf: {  	[dreg:$0x3] =	wrdreg $0xB2200  }
0xb0: {  	[dreg:$0x4] =	wrdreg $0x9  }
0xb1: {  	_ =	task.clear_ibuf [dreg:s6], $0x5FFFF;
	_ =	strace $0x90000049  }
0xb2: {  	s29 =	simm.s32 $0x9;
	_ =	strace $0x8000004B  }
0xb3: {  	_ =	swait.ge [sflag:s29], $0x1  }
0xb4: {  	[sflag:s29] =	ssyncadd.s32 $0xFFFFFFFF  }
0xb5: {  	_ =	strace $0x9000004B  }
0xb6: {  	_ =	sfence  }
0xb7: {  	s30 =	sld [smem:$0x0];
	_ =	sdelay $0x2  }
0xb8: {  	s31 =	sshll.u32 s1, $0xD;
	s1 =	sshrl.u32 s1, $0x2  }
0xb9: {  	s3 =	sand.u32 $0x4000, s31;
	s1 =	sadd.s32 s1, s30  }
0xba: {  	s0 =	sor.u32 s3, s0;
	s1 =	sshll.u32 s1, $0x11  }
0xbb: {  	s0 =	sor.u32 s1, s0  }
0xbc: {  	s0 =	sadd.s32 $0x8F2B, s0  }
0xbd: {  	[sflag:s0] =	ssyncadd.remote.s32 $0x1  }
0xbe: {  	_ =	sfence.sel $0xFFFF  }
0xbf: {  	[dreg:$0x0] =	wrdreg $0xFFFFFFFF;
	(pc) =	sbr.abs _section_cstart, $3  }
0xc0: {  	[dreg:$0x1] =	wrdreg $0xFFFFFFFF  }
0xc1: {  	_ =	task.clear_ibuf [dreg:s6], $0x2FFFF;
	_ =	strace $0x9FFFFFFF  }
0xc2: {  	(tm) =	ssettm $0x7FFFFFFF  }
0xc3: {  	_ =	shalt  }
tec
execute0_lowered:
.L_overlay_start_1:
0x0: {  	(tag) =	ssettag $0x1  }
0x1: {  	s0 =	rddreg [dreg:$0x0];
	s7 =	stileid.u32  }
0x2: {  	s1 =	srdreg.scid;
	s2 =	rddreg [dreg:$0x1]  }
0x3: {  	s3 =	simm.s32 $0x0;
	s11 =	simm.s32 $0x6;
	s13 =	simm.s32 $0x28  }
0x4: {  	s14 =	simm.s32 $0x4E20;
	s15 =	simm.s32 $0x6220;
	s17 =	simm.s32 $0x7620  }
0x5: {  	s19 =	simm.s32 $0x8A20;
	s21 =	simm.s32 $0x9E20;
	s22 =	simm.s32 $0x1  }
0x6: {  	s23 =	simm.s32 $0x2;
	s28 =	simm.s32 $0x5;
	s29 =	simm.s32 $0x4D58  }
0x7: {  	s30 =	simm.s32 $0x4D80;
	s31 =	simm.s32 $0x4DA8;
	s4 =	smul.u32 $0x4E2, s7  }
0x8: {  	s1 =	sand.u32 $0x1, s1;
	[smem:$0x7FF] =	sst s3;
	s6 =	smul.u32 $0x13880, s7  }
0x9: {  	s26 =	sshll.u32 s7, $0x6;
	s5 =	smul.u32 $0x27100, s1;
	s1 =	ssub.s32 $0x2, s1  }
0xa: {  	_ =	strace $0x8000004A;
	s8 =	sadd.s32 s4, s0;
	s25 =	sshrl.u32 s1, $0x1  }
0xb: {  	s10 =	sadd.s32 s6, s2;
	s12 =	sshrl.u32 s6, $0x3;
	s6 =	sor.u32 $0x1C06, s26  }
0xc: {  	s26 =	simm.s32 $0x4;
	s0 =	sadd.s32 s5, s0;
	s1 =	ssub.s32 s1, s25  }
0xd: {  	s7 =	sadd.s32 $0x1400, s8;
	s8 =	sadd.s32 $0x6400, s8;
	s10 =	sshrl.u32 s10, $0x3  }
0xe: {  	s25 =	simm.s32 $0x3;
	s4 =	sadd.s32 $0xB400, s0;
	s0 =	sadd.s32 $0x59600, s0  }
0xf: {  	s9 =	smax.u32 s1, $0x1;
	s1 =	simm.s32 $0x4DD0;
	s5 =	sadd.s32 s12, s4  }
0x10: {  	s24 =	sadd.s32 s12, s0;
	s0 =	simm.s32 $0x4DF8;
	s12 =	simm.s32 $0x0  }
.LBB2_1:
0x11: {  	[spmem:s10], [sflag:s6] =	dma.local [hbm:s5], $0x2710  }
0x12: {  	_ =	swait.ge [sflag:s11], $0x2710  }
0x13: {  	[sflag:s11] =	ssyncset.done $0x0  }
0x14: {  	[sflag:s11] =	ssyncadd.s32 $0xFFFFD8F0  }
0x15: {  	[tilespmem:s3], [sflag:$0x6] =	stream.linear.gather [hbm4b:s7+s3], $0x2710, $0x38;
	[tilespmem:$0x1EAA0] =	vst v63  }
0x16: {  	_ =	swait.ge [sflag:s11], $0x2710  }
0x17: {  	[sflag:s11] =	ssyncset.done $0x0  }
0x18: {  	s16 =	simm.s32 $0x2710;
	[sflag:s11] =	ssyncadd.s32 $0xFFFFD8F0  }
0x19: {  	[tilespmem:s16], [sflag:$0x6] =	stream.linear.gather [hbm4b:s8+s3], $0x2710, $0x38;
	[tilespmem:$0x1EAA0] =	vst v63  }
0x1a: {  	_ =	swait.ge [sflag:s11], $0x2710  }
0x1b: {  	[sflag:s11] =	ssyncset.done $0x0  }
0x1c: {  	[sflag:s11] =	ssyncadd.s32 $0xFFFFD8F0  }
0x1d: {  	[bflag:$0x0] =	sbarrier.arrive $0xFFFF  }
0x1e: {  	[tilespmem:s14], [sflag:$0x1] =	stream.indirect.gather [hbm4b:s4+s13], $0x80, s3, s13, $0xb8;
	[tilespmem:$0x1EAA0] =	vst v63  }
0x1f: {  	_ = 	snop  }
0x20: {  	[tilespmem:s15], [sflag:$0x2] =	stream.indirect.gather [hbm4b:s4+s13], $0x80, s13, s13, $0xb8;
	[tilespmem:$0x1EAA0] =	vst v63  }
0x21: {  	s18 =	simm.s32 $0x50  }
0x22: {  	[tilespmem:s17], [sflag:$0x3] =	stream.indirect.gather [hbm4b:s4+s13], $0x80, s18, s13, $0xb8;
	[tilespmem:$0x1EAA0] =	vst v63  }
0x23: {  	s20 =	simm.s32 $0x78  }
0x24: {  	[tilespmem:s19], [sflag:$0x4] =	stream.indirect.gather [hbm4b:s4+s13], $0x80, s20, s13, $0xb8;
	[tilespmem:$0x1EAA0] =	vst v63  }
0x25: {  	s18 =	simm.s32 $0xA0  }
0x26: {  	[tilespmem:s21], [sflag:$0x5] =	stream.indirect.gather [hbm4b:s4+s13], $0x80, s18, s13, $0xb8;
	[tilespmem:$0x1EAA0] =	vst v63  }
0x27: {  	_ =	swait.ge [sflag:s22], $0x1400  }
0x28: {  	[sflag:s22] =	ssyncset.done $0x0  }
0x29: {  	s20 =	simm.s32 $0x2710;
	[sflag:s22] =	ssyncadd.s32 $0xFFFFEC00  }
0x2a: {  	[spmem:s2] =	stream.indirect.scatter.add.f32 [tilespmem:s14], [sflag:$0x6], $0x80, s20, s13, $0xb8;
	[tilespmem:$0x1EAA0] =	vst v63  }
0x2b: {  	_ =	swait.ge [sflag:s11], $0x1400  }
0x2c: {  	[sflag:s11] =	ssyncset.done $0x0  }
0x2d: {  	s18 =	simm.s32 $0xC8;
	[sflag:s11] =	ssyncadd.s32 $0xFFFFEC00  }
0x2e: {  	[tilespmem:s14], [sflag:$0x1] =	stream.indirect.gather [hbm4b:s4+s13], $0x80, s18, s13, $0xb8;
	[tilespmem:$0x1EAA0] =	vst v63  }
0x2f: {  	_ =	swait.ge [sflag:s23], $0x1400  }
0x30: {  	[sflag:s23] =	ssyncset.done $0x0  }
0x31: {  	s20 =	simm.s32 $0x2738;
	[sflag:s23] =	ssyncadd.s32 $0xFFFFEC00  }
0x32: {  	[spmem:s2] =	stream.indirect.scatter.add.f32 [tilespmem:s15], [sflag:$0x6], $0x80, s20, s13, $0xb8;
	[tilespmem:$0x1EAA0] =	vst v63  }
0x33: {  	_ =	swait.ge [sflag:s11], $0x1400  }
0x34: {  	[sflag:s11] =	ssyncset.done $0x0  }
0x35: {  	s18 =	simm.s32 $0xF0;
	[sflag:s11] =	ssyncadd.s32 $0xFFFFEC00  }
0x36: {  	[tilespmem:s15], [sflag:$0x2] =	stream.indirect.gather [hbm4b:s4+s13], $0x80, s18, s13, $0xb8;
	[tilespmem:$0x1EAA0] =	vst v63  }
0x37: {  	_ =	swait.ge [sflag:s25], $0x1400  }
0x38: {  	[sflag:s25] =	ssyncset.done $0x0  }
0x39: {  	s20 =	simm.s32 $0x2760;
	[sflag:s25] =	ssyncadd.s32 $0xFFFFEC00  }
0x3a: {  	[spmem:s2] =	stream.indirect.scatter.add.f32 [tilespmem:s17], [sflag:$0x6], $0x80, s20, s13, $0xb8;
	[tilespmem:$0x1EAA0] =	vst v63  }
0x3b: {  	_ =	swait.ge [sflag:s11], $0x1400  }
0x3c: {  	[sflag:s11] =	ssyncset.done $0x0  }
0x3d: {  	s18 =	simm.s32 $0x118;
	[sflag:s11] =	ssyncadd.s32 $0xFFFFEC00  }
0x3e: {  	[tilespmem:s17], [sflag:$0x3] =	stream.indirect.gather [hbm4b:s4+s13], $0x80, s18, s13, $0xb8;
	[tilespmem:$0x1EAA0] =	vst v63  }
0x3f: {  	_ =	swait.ge [sflag:s26], $0x1400  }
0x40: {  	[sflag:s26] =	ssyncset.done $0x0  }
0x41: {  	s20 =	simm.s32 $0x2788;
	[sflag:s26] =	ssyncadd.s32 $0xFFFFEC00  }
0x42: {  	[spmem:s2] =	stream.indirect.scatter.add.f32 [tilespmem:s19], [sflag:$0x6], $0x80, s20, s13, $0xb8;
	[tilespmem:$0x1EAA0] =	vst v63  }
0x43: {  	_ =	swait.ge [sflag:s11], $0x1400  }
0x44: {  	[sflag:s11] =	ssyncset.done $0x0  }
0x45: {  	s18 =	simm.s32 $0x140;
	[sflag:s11] =	ssyncadd.s32 $0xFFFFEC00  }
0x46: {  	[tilespmem:s19], [sflag:$0x4] =	stream.indirect.gather [hbm4b:s4+s13], $0x80, s18, s13, $0xb8;
	[tilespmem:$0x1EAA0] =	vst v63  }
0x47: {  	_ =	swait.ge [sflag:s28], $0x1400  }
0x48: {  	[sflag:s28] =	ssyncset.done $0x0  }
0x49: {  	s20 =	simm.s32 $0x27B0;
	[sflag:s28] =	ssyncadd.s32 $0xFFFFEC00  }
0x4a: {  	[spmem:s2] =	stream.indirect.scatter.add.f32 [tilespmem:s21], [sflag:$0x6], $0x80, s20, s13, $0xb8;
	[tilespmem:$0x1EAA0] =	vst v63  }
0x4b: {  	_ =	swait.ge [sflag:s11], $0x1400  }
0x4c: {  	[sflag:s11] =	ssyncset.done $0x0  }
0x4d: {  	s16 =	simm.s32 $0x320;
	s18 =	simm.s32 $0x168;
	[sflag:s11] =	ssyncadd.s32 $0xFFFFEC00  }
.LBB2_2:
0x4e: {  	[tilespmem:s21], [sflag:$0x5] =	stream.indirect.gather [hbm4b:s4+s13], $0x80, s18, s13, $0xb8;
	[tilespmem:$0x1EAA0] =	vst v63  }
0x4f: {  	s18 =	smov.u32 s16  }
0x50: {  	p0 =	sne.s32 s16, $0x9600;
	s16 =	sadd.s32 $0x320, s16;
	_ =	swait.ge [sflag:s22], $0x1400  }
0x51: {  	s18 =	sshra.s32 s18, $0x2;
	[sflag:s22] =	ssyncset.done $0x0  }
0x52: {  	s20 =	sadd.s32 $0x2710, s18;
	[sflag:s22] =	ssyncadd.s32 $0xFFFFEC00  }
0x53: {  	[spmem:s2] =	stream.indirect.scatter.add.f32 [tilespmem:s14], [sflag:$0x6], $0x80, s20, s13, $0xb8;
	[tilespmem:$0x1EAA0] =	vst v63  }
0x54: {  	_ =	swait.ge [sflag:s11], $0x1400  }
0x55: {  	[sflag:s11] =	ssyncset.done $0x0  }
0x56: {  	s20 =	sadd.s32 $0xC8, s18;
	[sflag:s11] =	ssyncadd.s32 $0xFFFFEC00  }
0x57: {  	[tilespmem:s14], [sflag:$0x1] =	stream.indirect.gather [hbm4b:s4+s13], $0x80, s20, s13, $0xb8;
	[tilespmem:$0x1EAA0] =	vst v63  }
0x58: {  	_ =	swait.ge [sflag:s23], $0x1400  }
0x59: {  	[sflag:s23] =	ssyncset.done $0x0  }
0x5a: {  	s20 =	sadd.s32 $0x2738, s18;
	[sflag:s23] =	ssyncadd.s32 $0xFFFFEC00  }
0x5b: {  	[spmem:s2] =	stream.indirect.scatter.add.f32 [tilespmem:s15], [sflag:$0x6], $0x80, s20, s13, $0xb8;
	[tilespmem:$0x1EAA0] =	vst v63  }
0x5c: {  	_ =	swait.ge [sflag:s11], $0x1400  }
0x5d: {  	[sflag:s11] =	ssyncset.done $0x0  }
0x5e: {  	s20 =	sadd.s32 $0xF0, s18;
	[sflag:s11] =	ssyncadd.s32 $0xFFFFEC00  }
0x5f: {  	[tilespmem:s15], [sflag:$0x2] =	stream.indirect.gather [hbm4b:s4+s13], $0x80, s20, s13, $0xb8;
	[tilespmem:$0x1EAA0] =	vst v63  }
0x60: {  	_ =	swait.ge [sflag:s25], $0x1400  }
0x61: {  	[sflag:s25] =	ssyncset.done $0x0  }
0x62: {  	s20 =	sadd.s32 $0x2760, s18;
	[sflag:s25] =	ssyncadd.s32 $0xFFFFEC00  }
0x63: {  	[spmem:s2] =	stream.indirect.scatter.add.f32 [tilespmem:s17], [sflag:$0x6], $0x80, s20, s13, $0xb8;
	[tilespmem:$0x1EAA0] =	vst v63  }
0x64: {  	_ =	swait.ge [sflag:s11], $0x1400  }
0x65: {  	[sflag:s11] =	ssyncset.done $0x0  }
0x66: {  	s20 =	sadd.s32 $0x118, s18;
	[sflag:s11] =	ssyncadd.s32 $0xFFFFEC00  }
0x67: {  	[tilespmem:s17], [sflag:$0x3] =	stream.indirect.gather [hbm4b:s4+s13], $0x80, s20, s13, $0xb8;
	[tilespmem:$0x1EAA0] =	vst v63  }
0x68: {  	_ =	swait.ge [sflag:s26], $0x1400  }
0x69: {  	[sflag:s26] =	ssyncset.done $0x0  }
0x6a: {  	s20 =	sadd.s32 $0x2788, s18;
	[sflag:s26] =	ssyncadd.s32 $0xFFFFEC00  }
0x6b: {  	[spmem:s2] =	stream.indirect.scatter.add.f32 [tilespmem:s19], [sflag:$0x6], $0x80, s20, s13, $0xb8;
	[tilespmem:$0x1EAA0] =	vst v63  }
0x6c: {  	_ =	swait.ge [sflag:s11], $0x1400  }
0x6d: {  	[sflag:s11] =	ssyncset.done $0x0  }
0x6e: {  	s20 =	sadd.s32 $0x140, s18;
	[sflag:s11] =	ssyncadd.s32 $0xFFFFEC00  }
0x6f: {  	[tilespmem:s19], [sflag:$0x4] =	stream.indirect.gather [hbm4b:s4+s13], $0x80, s20, s13, $0xb8;
	[tilespmem:$0x1EAA0] =	vst v63  }
0x70: {  	_ =	swait.ge [sflag:s28], $0x1400  }
0x71: {  	[sflag:s28] =	ssyncset.done $0x0  }
.Ltmp0:
0x72: {  	s20 =	sadd.s32 $0x27B0, s18;
	[sflag:s28] =	ssyncadd.s32 $0xFFFFEC00;
	(pc) =	sbr.rel @p0 .LBB2_2-.Ltmp0, $4  }
0x73: {  	[spmem:s2] =	stream.indirect.scatter.add.f32 [tilespmem:s21], [sflag:$0x6], $0x80, s20, s13, $0xb8;
	[tilespmem:$0x1EAA0] =	vst v63  }
0x74: {  	_ =	swait.ge [sflag:s11], $0x1400  }
0x75: {  	[sflag:s11] =	ssyncset.done $0x0  }
0x76: {  	s18 =	sadd.s32 $0x168, s18;
	[sflag:s11] =	ssyncadd.s32 $0xFFFFEC00  }
0x77: {  	[tilespmem:s21], [sflag:$0x5] =	stream.indirect.gather [hbm4b:s4+s13], $0x80, s18, s13, $0xb8;
	[tilespmem:$0x1EAA0] =	vst v63  }
0x78: {  	_ =	swait.ge [sflag:s22], $0x1400  }
0x79: {  	[sflag:s22] =	ssyncset.done $0x0  }
0x7a: {  	[sflag:s22] =	ssyncadd.s32 $0xFFFFEC00  }
0x7b: {  	[spmem:s2] =	stream.indirect.scatter.add.f32 [tilespmem:s14], [sflag:$0x6], $0x80, s29, s13, $0xb8;
	[tilespmem:$0x1EAA0] =	vst v63  }
0x7c: {  	_ =	swait.ge [sflag:s11], $0x1400  }
0x7d: {  	[sflag:s11] =	ssyncset.done $0x0  }
0x7e: {  	[sflag:s11] =	ssyncadd.s32 $0xFFFFEC00  }
0x7f: {  	_ =	swait.ge [sflag:s23], $0x1400  }
0x80: {  	[sflag:s23] =	ssyncset.done $0x0  }
0x81: {  	[sflag:s23] =	ssyncadd.s32 $0xFFFFEC00  }
0x82: {  	[spmem:s2] =	stream.indirect.scatter.add.f32 [tilespmem:s15], [sflag:$0x6], $0x80, s30, s13, $0xb8;
	[tilespmem:$0x1EAA0] =	vst v63  }
0x83: {  	_ =	swait.ge [sflag:s11], $0x1400  }
0x84: {  	[sflag:s11] =	ssyncset.done $0x0  }
0x85: {  	[sflag:s11] =	ssyncadd.s32 $0xFFFFEC00  }
0x86: {  	_ =	swait.ge [sflag:s25], $0x1400  }
0x87: {  	[sflag:s25] =	ssyncset.done $0x0  }
0x88: {  	[sflag:s25] =	ssyncadd.s32 $0xFFFFEC00  }
0x89: {  	[spmem:s2] =	stream.indirect.scatter.add.f32 [tilespmem:s17], [sflag:$0x6], $0x80, s31, s13, $0xb8;
	[tilespmem:$0x1EAA0] =	vst v63  }
0x8a: {  	_ =	swait.ge [sflag:s11], $0x1400  }
0x8b: {  	[sflag:s11] =	ssyncset.done $0x0  }
0x8c: {  	[sflag:s11] =	ssyncadd.s32 $0xFFFFEC00  }
0x8d: {  	_ =	swait.ge [sflag:s26], $0x1400  }
0x8e: {  	[sflag:s26] =	ssyncset.done $0x0  }
0x8f: {  	[sflag:s26] =	ssyncadd.s32 $0xFFFFEC00  }
0x90: {  	[spmem:s2] =	stream.indirect.scatter.add.f32 [tilespmem:s19], [sflag:$0x6], $0x80, s1, s13, $0xb8;
	[tilespmem:$0x1EAA0] =	vst v63  }
0x91: {  	_ =	swait.ge [sflag:s11], $0x1400  }
0x92: {  	[sflag:s11] =	ssyncset.done $0x0  }
0x93: {  	[sflag:s11] =	ssyncadd.s32 $0xFFFFEC00  }
0x94: {  	_ =	swait.ge [sflag:s28], $0x1400  }
0x95: {  	[sflag:s28] =	ssyncset.done $0x0  }
0x96: {  	[sflag:s28] =	ssyncadd.s32 $0xFFFFEC00  }
0x97: {  	[spmem:s2] =	stream.indirect.scatter.add.f32 [tilespmem:s21], [sflag:$0x6], $0x80, s0, s13, $0xb8;
	[tilespmem:$0x1EAA0] =	vst v63  }
0x98: {  	_ =	swait.ge [sflag:s11], $0x1400  }
0x99: {  	s12 =	sadd.s32 $0x1, s12;
	[sflag:s11] =	ssyncset.done $0x0  }
0x9a: {  	p0 =	sne.s32 s12, s9;
	[sflag:s11] =	ssyncadd.s32 $0xFFFFEC00  }
.Ltmp1:
0x9b: {  	[bflag:$0x0] =	sbarrier.arrive $0xFFFF;
	(pc) =	sbr.rel @p0 .LBB2_1-.Ltmp1, $4  }
0x9c: {  	[hbm:s24], [sflag:s6] =	dma.local [spmem:s10], $0x2710  }
0x9d: {  	_ =	swait.ge [sflag:s11], $0x2710  }
0x9e: {  	[sflag:s11] =	ssyncset.done $0x0  }
0x9f: {  	[sflag:s11] =	ssyncadd.s32 $0xFFFFD8F0  }
0xa0: {  	_ =	sfence.sel $0x180000  }
0xa1: {  	[bflag:$0x0] =	sbarrier.arrive $0xFFFF  }
0xa2: {  	_ =	strace $0x9000004A  }
0xa3: {  	s0 =	stileid.u32;
	[bflag:$0x2] =	sbarrier.arrive $0xFFFF  }
0xa4: {  	p0 =	sne.s32 s0, $0x0;
	s0 =	rddreg [dreg:$0x2]  }
0xa5: {  	s0 =	sadd.s32 @!p0 $0x100000, s0  }
0xa6: {  	[sflag:s0] =	ssyncadd.tile.s32 @!p0 $0x1;
	_ =	shalt  }
.Lfunc_end2:
_tile_overlayer_lowered:
.L_overlay_start_2:
0xa7: {  	(tag) =	ssettag $0x2  }
0xa8: {  	s0 =	rddreg [dreg:$0x0];
	s2 =	stileid.u32  }
0xa9: {  	s1 =	rddreg [dreg:$0x1];
	p0 =	sne.s32 s2, $0x0  }
0xaa: {  	s3 =	rddreg [dreg:$0x2];
	[bflag:$0x3] =	sbarrier.arrive $0xFFFF;
	s2 =	simm.s32 @!p0 $0x1C06  }
0xab: {  	[timem:s3], [sflag:s2] =	dma.local @!p0 [hbm:s0], s1  }
0xac: {  	s0 =	simm.s32 @!p0 $0x6  }
0xad: {  	_ =	swait.ge @!p0 [sflag:s0], s1  }
0xae: {  	s1 =	ssub.s32 @!p0 $0x0, s1;
	[sflag:s0] =	ssyncset.done @!p0 $0x0  }
0xaf: {  	[sflag:s0] =	ssyncadd.s32 @!p0 s1  }
0xb0: {  	[bflag:$0x3] =	sbarrier.arrive $0xFFFF  }
0xb1: {  	_ =	shalt  }

// kernel: kernel.14.cloned.1.call-start
scs
__scs_entry_jumppad:
0x0: {  	(pc) =	sbr.rel $0x88, $3  }
0x1: {  	(tag) =	ssettag $0x0;
	lr =	simm.s32 $0x1  }
0x2: {  	[smem:$0x3F9A] =	sst lr;
	_ =	strace $0xD0000000  }
0x3: {  	_ = 	snop  }
0x4: {  	_ = 	snop  }
0x5: {  	_ = 	snop  }
0x6: {  	_ = 	snop  }
0x7: {  	_ = 	snop  }
__scs_overlays_trampoline_lowered:
0x8: {  	[smem:$0x3FA9] =	sst s0  }
0x9: {  	[smem:$0x3FAA] =	sst s1  }
0xa: {  	[smem:$0x3FAB] =	sst s2  }
0xb: {  	[smem:$0x3FAC] =	sst s3  }
0xc: {  	[smem:$0x3FAD] =	sst s4  }
0xd: {  	[smem:$0x3FAE] =	sst s5  }
0xe: {  	[smem:$0x3FAF] =	sst s6  }
0xf: {  	[smem:$0x3FB0] =	sst s7  }
0x10: {  	[smem:$0x3FB1] =	sst s8  }
0x11: {  	[smem:$0x3FB2] =	sst s9;
	s0 =	simm.s32 @!p0 $0x0  }
0x12: {  	s1 =	sld [smem:$0x3F98];
	s0 =	simm.s32 @p0 $0x1  }
0x13: {  	[smem:$0x3FB3] =	sst s0;
	s0 =	simm.s32 @!p1 $0x0  }
0x14: {  	s2 =	sld [smem:$0x3F97];
	s0 =	simm.s32 @p1 $0x1  }
0x15: {  	[smem:$0x3FB4] =	sst s0;
	s0 =	simm.s32 @!p2 $0x0  }
0x16: {  	s3 =	sld [smem:$0x3FDB];
	s0 =	simm.s32 @p2 $0x1  }
0x17: {  	s4 =	simm.s32 $0x1BF5;
	[smem:$0x3FB6] =	sst s0  }
0x18: {  	s0 =	sld [smem:$0x3F99];
	_ =	swait.ge [sflag:s4], $0x0  }
0x19: {  	s7 =	sld [smem:$0x3F9A]  }
0x1a: {  	s8 =	sadd.s32 $0xFFFFE003, lr  }
0x1b: {  	s9 =	sadd.s32 $0xFFFFFEF7, lr;
	s5 =	simm.s32 $0xFFFFFFFF;
	p2 =	slt.u32 s8, $0xFFFFF086  }
0x1c: {  	p1 =	slt.u32 s9, $0xF7A;
	s5 =	simm.s32 @!p2 $0x0  }
0x1d: {  	s5 =	simm.s32 @p1 $0x1;
	p0 =	seq.s32 s7, s2  }
0x1e: {  	s7 =	smul.u32 @!p0 $0xF7A, s2;
	p2 =	seq.s32 @!p0 s5, $0x0  }
0x1f: {  	s9 =	smul.u32 $0xF7A, s1;
	s8 =	simm.s32 @!p0 $0x1BF5;
	p2 =	por !p2, p0  }
0x20: {  	[sflag:s8] =	ssyncset.s32 @!p0 $0xFFFFF086;
	s6 =	sadd.s32 @!p0 s3, s7;
	s7 =	simm.s32 @!p0 $0x108  }
0x21: {  	s3 =	sadd.s32 s3, s9;
	s6 =	sadd.s32 @!p0 $0x88, s6;
	s7 =	simm.s32 @p2 $0x1082  }
0x22: {  	[simem:s7], [sflag:s8] =	dma.local @!p0 [hbm:s6], $0xF7A  }
0x23: {  	s9 =	sor.u32 $0xD0000000, s2;
	s6 =	simm.s32 $0x108;
	_ =	swait.ge @!p0 [sflag:s8], $0x0  }
0x24: {  	s3 =	sadd.s32 $0x88, s3;
	s6 =	simm.s32 @!p1 $0x1082;
	[sflag:s4] =	ssyncset.s32 $0xFFFFF086  }
0x25: {  	[simem:s6], [sflag:s4] =	dma.local [hbm:s3], $0xF7A  }
0x26: {  	[smem:$0x3F9A] =	sst s1;
	(tag) =	ssettag s2;
	_ =	strace s9  }
0x27: {  	s1 =	sld [smem:$0x3FAA]  }
0x28: {  	s2 =	sld [smem:$0x3FAB]  }
0x29: {  	s4 =	sld [smem:$0x3FAD]  }
0x2a: {  	p0 =	seq.s32 s5, $0x0;
	s5 =	sld [smem:$0x3FAE]  }
0x2b: {  	s6 =	sld [smem:$0x3FAF]  }
0x2c: {  	s7 =	sld [smem:$0x3FB0]  }
0x2d: {  	s3 =	simm.s32 $0x108;
	s8 =	sld [smem:$0x3FB1]  }
0x2e: {  	s3 =	simm.s32 @!p0 $0x1082;
	s9 =	sld [smem:$0x3FB2]  }
0x2f: {  	lr =	sadd.s32 s0, s3;
	s0 =	sld [smem:$0x3FA9]  }
0x30: {  	s3 =	sld [smem:$0x3FAC]  }
0x31: {  	[smem:$0x3FB5] =	sst s10  }
0x32: {  	s10 =	sld [smem:$0x3FB3];
	_ =	sdelay $0x3  }
0x33: {  	p0 =	seq.s32 s10, $0x1;
	s10 =	sld [smem:$0x3FB5];
	_ =	sdelay $0x3  }
0x34: {  	[smem:$0x3FB5] =	sst s10  }
0x35: {  	s10 =	sld [smem:$0x3FB4];
	_ =	sdelay $0x3  }
0x36: {  	p1 =	seq.s32 s10, $0x1;
	s10 =	sld [smem:$0x3FB5];
	_ =	sdelay $0x3  }
0x37: {  	[smem:$0x3FB5] =	sst s10  }
0x38: {  	s10 =	sld [smem:$0x3FB6]  }
0x39: {  	_ = 	snop;
	(pc) =	sbr.ind lr, $3  }
0x3a: {  	_ = 	snop  }
0x3b: {  	_ = 	snop  }
0x3c: {  	p2 =	seq.s32 s10, $0x1;
	s10 =	sld [smem:$0x3FB5]  }
0x3d: {  	_ =	shalt  }
0x3e: {  	_ =	shalt  }
0x3f: {  	_ =	shalt  }
0x40: {  	_ =	shalt  }
0x41: {  	_ =	shalt  }
0x42: {  	_ =	shalt  }
0x43: {  	_ =	shalt  }
0x44: {  	_ =	shalt  }
0x45: {  	_ =	shalt  }
0x46: {  	_ =	shalt  }
0x47: {  	_ =	shalt  }
0x48: {  	_ =	shalt  }
0x49: {  	_ =	shalt  }
0x4a: {  	_ =	shalt  }
0x4b: {  	_ =	shalt  }
0x4c: {  	_ =	shalt  }
0x4d: {  	_ =	shalt  }
0x4e: {  	_ =	shalt  }
0x4f: {  	_ =	shalt  }
0x50: {  	_ =	shalt  }
0x51: {  	_ =	shalt  }
0x52: {  	_ =	shalt  }
0x53: {  	_ =	shalt  }
0x54: {  	_ =	shalt  }
0x55: {  	_ =	shalt  }
0x56: {  	_ =	shalt  }
0x57: {  	_ =	shalt  }
0x58: {  	_ =	shalt  }
0x59: {  	_ =	shalt  }
0x5a: {  	_ =	shalt  }
0x5b: {  	_ =	shalt  }
0x5c: {  	_ =	shalt  }
0x5d: {  	_ =	shalt  }
0x5e: {  	_ =	shalt  }
0x5f: {  	_ =	shalt  }
0x60: {  	_ =	shalt  }
0x61: {  	_ =	shalt  }
0x62: {  	_ =	shalt  }
0x63: {  	_ =	shalt  }
0x64: {  	_ =	shalt  }
0x65: {  	_ =	shalt  }
0x66: {  	_ =	shalt  }
0x67: {  	_ =	shalt  }
0x68: {  	_ =	shalt  }
0x69: {  	_ =	shalt  }
0x6a: {  	_ =	shalt  }
0x6b: {  	_ =	shalt  }
0x6c: {  	_ =	shalt  }
0x6d: {  	_ =	shalt  }
0x6e: {  	_ =	shalt  }
0x6f: {  	_ =	shalt  }
0x70: {  	_ =	shalt  }
0x71: {  	_ =	shalt  }
0x72: {  	_ =	shalt  }
0x73: {  	_ =	shalt  }
0x74: {  	_ =	shalt  }
0x75: {  	_ =	shalt  }
0x76: {  	_ =	shalt  }
0x77: {  	_ =	shalt  }
0x78: {  	_ =	shalt  }
0x79: {  	_ =	shalt  }
0x7a: {  	_ =	shalt  }
0x7b: {  	_ =	shalt  }
0x7c: {  	_ =	shalt  }
0x7d: {  	_ =	shalt  }
0x7e: {  	_ =	shalt  }
0x7f: {  	_ =	shalt  }
0x80: {  	_ =	shalt  }
0x81: {  	_ =	shalt  }
0x82: {  	_ =	shalt  }
0x83: {  	_ =	shalt  }
0x84: {  	_ =	shalt  }
0x85: {  	_ =	shalt  }
0x86: {  	_ =	shalt  }
0x87: {  	_ =	shalt  }
.Lfunc_end0:
.L_simem_size_0:
called_computation.2_lowered:
.L_overlay_start_0:
0x88: {  	s2 =	sld [smem:$0x3FD9]  }
0x89: {  	s3 =	sld [smem:$0x3FFE];
	_ =	sdelay $0x1  }
0x8a: {  	s1 =	srdreg.scid  }
0x8b: {  	s0 =	sand.u32 $0x1, s1  }
0x8c: {  	s16 =	sshll.u32 s0, $0xA;
	s2 =	sadd.s32 s3, s2  }
0x8d: {  	s2 =	sadd.s32 s2, s16  }
0x8e: {  	[smem:$0x3FC1] =	sst s2  }
0x8f: {  	_ = 	snop  }
0x90: {  	(tm) =	ssettm $0x1  }
0x91: {  	s17 =	sld [smem:$0x3FFB];
	_ =	sdelay $0x3  }
0x92: {  	_ =	strace s17  }
0x93: {  	s2 =	sld [smem:$0x3FFC];
	_ =	sdelay $0x3  }
0x94: {  	_ =	strace s2  }
0x95: {  	s2 =	sld [smem:$0x3FFD];
	_ =	sdelay $0x3  }
0x96: {  	_ =	strace s2  }
0x97: {  	_ =	strace $0x8FFFFFFF  }
0x98: {  	s18 =	sld [smem:$0x3FDB];
	_ =	sdelay $0x1  }
0x99: {  	s19 =	simm.s32 $_scs_section_size  }
0x9a: {  	s4 =	simm.s32 $_size__tile_overlayer_lowered;
	s5 =	simm.s32 $_tile_overlayer_lowered  }
0x9b: {  	s22 =	simm.s32 $0x1BFF;
	s21 =	sshll.u32 s5, $0x1;
	s2 =	sadd.s32 s19, s18  }
0x9c: {  	s6 =	simm.s32 $0x0;
	s20 =	sshll.u32 s4, $0x1;
	s4 =	sadd.s32 s21, s2  }
0x9d: {  	[timem:s6], [sflag:s22] =	dma.local [hbm:s4], s20  }
0x9e: {  	_ =	swait.ge [sflag:s22], s20  }
0x9f: {  	s3 =	ssub.s32 $0x0, s20;
	[sflag:s22] =	ssyncset.done $0x0  }
0xa0: {  	[sflag:s22] =	ssyncadd.s32 s3;
	_ =	sdelay $0x1  }
0xa1: {  	s23 =	simm.s32 $0x1B8B  }
0xa2: {  	_ =	swait.ge [sflag:s23], $0x1  }
0xa3: {  	[sflag:s23] =	ssyncset.done $0x0  }
0xa4: {  	s25 =	simm.s32 $0x1B8E;
	s24 =	sld [smem:$0x3FFE];
	[sflag:s23] =	ssyncadd.s32 $0xFFFFFFFF  }
0xa5: {  	s26 =	simm.s32 $execute0_lowered;
	[smem:$0x3FD2] =	sst s25  }
0xa6: {  	s4 =	sshll.u32 s26, $0x1;
	_ =	strace $0x8000004C;
	[dreg:$0x1] =	wrdreg $0xFFFFFFFF  }
0xa7: {  	s28 =	simm.s32 $_size_execute0_lowered;
	s2 =	sadd.s32 s2, s4;
	[dreg:$0x0] =	wrdreg $0x0  }
0xa8: {  	s4 =	sshll.u32 s28, $0x1;
	[dreg:$0x2] =	wrdreg s2  }
0xa9: {  	[dreg:$0x3] =	wrdreg s4  }
0xaa: {  	[dreg:$0x4] =	wrdreg $0xC0  }
0xab: {  	_ =	task [dreg:s6], $0x5FFFF  }
0xac: {  	[dreg:$0x1] =	wrdreg $0xFFFFFFFF  }
0xad: {  	[dreg:$0x0] =	wrdreg $0x60  }
0xae: {  	[dreg:$0x2] =	wrdreg s24  }
0xaf: {  	[dreg:$0x3] =	wrdreg $0x80200  }
0xb0: {  	[dreg:$0x4] =	wrdreg $0x9  }
0xb1: {  	_ =	task.clear_ibuf [dreg:s6], $0x5FFFF;
	_ =	strace $0x9000004C  }
0xb2: {  	s29 =	simm.s32 $0x9;
	_ =	strace $0x8000004E  }
0xb3: {  	_ =	swait.ge [sflag:s29], $0x1  }
0xb4: {  	[sflag:s29] =	ssyncadd.s32 $0xFFFFFFFF  }
0xb5: {  	_ =	strace $0x9000004E  }
0xb6: {  	_ =	sfence  }
0xb7: {  	s30 =	sld [smem:$0x0];
	_ =	sdelay $0x2  }
0xb8: {  	s31 =	sshll.u32 s1, $0xD;
	s1 =	sshrl.u32 s1, $0x2  }
0xb9: {  	s3 =	sand.u32 $0x4000, s31;
	s1 =	sadd.s32 s1, s30  }
0xba: {  	s0 =	sor.u32 s3, s0;
	s1 =	sshll.u32 s1, $0x11  }
0xbb: {  	s0 =	sor.u32 s1, s0  }
0xbc: {  	s0 =	sadd.s32 $0x8F2B, s0  }
0xbd: {  	[sflag:s0] =	ssyncadd.remote.s32 $0x1  }
0xbe: {  	_ =	sfence.sel $0xFFFF  }
0xbf: {  	[dreg:$0x0] =	wrdreg $0xFFFFFFFF;
	(pc) =	sbr.abs _section_cstart, $3  }
0xc0: {  	[dreg:$0x1] =	wrdreg $0xFFFFFFFF  }
0xc1: {  	_ =	task.clear_ibuf [dreg:s6], $0x2FFFF;
	_ =	strace $0x9FFFFFFF  }
0xc2: {  	(tm) =	ssettm $0x7FFFFFFF  }
0xc3: {  	_ =	shalt  }
tec
execute0_lowered:
.L_overlay_start_1:
0x0: {  	(tag) =	ssettag $0x1  }
0x1: {  	s0 =	rddreg [dreg:$0x0];
	s7 =	stileid.u32  }
0x2: {  	s1 =	srdreg.scid;
	s2 =	rddreg [dreg:$0x1]  }
0x3: {  	s3 =	simm.s32 $0x0;
	s11 =	simm.s32 $0x6;
	s13 =	simm.s32 $0x50  }
0x4: {  	s14 =	simm.s32 $0x4E20;
	s15 =	simm.s32 $0x5820;
	s17 =	simm.s32 $0x6220  }
0x5: {  	s19 =	simm.s32 $0x6C20;
	s21 =	simm.s32 $0x7620;
	s22 =	simm.s32 $0x1  }
0x6: {  	s23 =	simm.s32 $0x2;
	s28 =	simm.s32 $0x5;
	s29 =	simm.s32 $0x4C90  }
0x7: {  	s30 =	simm.s32 $0x4CE0;
	s31 =	simm.s32 $0x4D30;
	s4 =	smul.u32 $0x4E2, s7  }
0x8: {  	s1 =	sand.u32 $0x1, s1;
	[smem:$0x7FF] =	sst s3;
	s6 =	smul.u32 $0x4E20, s7  }
0x9: {  	s26 =	sshll.u32 s7, $0x6;
	s5 =	smul.u32 $0x9C40, s1;
	s1 =	ssub.s32 $0x2, s1  }
0xa: {  	_ =	strace $0x8000004D;
	s8 =	sadd.s32 s4, s0;
	s25 =	sshrl.u32 s1, $0x1  }
0xb: {  	s10 =	sadd.s32 s6, s2;
	s12 =	sshrl.u32 s6, $0x3;
	s6 =	sor.u32 $0x1C06, s26  }
0xc: {  	s26 =	simm.s32 $0x4;
	s0 =	sadd.s32 s5, s0;
	s1 =	ssub.s32 s1, s25  }
0xd: {  	s7 =	sadd.s32 $0x1400, s8;
	s8 =	sadd.s32 $0x6400, s8;
	s10 =	sshrl.u32 s10, $0x3  }
0xe: {  	s25 =	simm.s32 $0x3;
	s4 =	sadd.s32 $0xB400, s0;
	s0 =	sadd.s32 $0x1EE00, s0  }
0xf: {  	s9 =	smax.u32 s1, $0x1;
	s1 =	simm.s32 $0x4D80;
	s5 =	sadd.s32 s12, s4  }
0x10: {  	s24 =	sadd.s32 s12, s0;
	s0 =	simm.s32 $0x4DD0;
	s12 =	simm.s32 $0x0  }
.LBB2_1:
0x11: {  	[spmem:s10], [sflag:s6] =	dma.local [hbm:s5], $0x9C4  }
0x12: {  	_ =	swait.ge [sflag:s11], $0x9C4  }
0x13: {  	[sflag:s11] =	ssyncset.done $0x0  }
0x14: {  	[sflag:s11] =	ssyncadd.s32 $0xFFFFF63C  }
0x15: {  	[tilespmem:s3], [sflag:$0x6] =	stream.linear.gather [hbm4b:s7+s3], $0x2710, $0x38;
	[tilespmem:$0xCE40] =	vst v63  }
0x16: {  	_ =	swait.ge [sflag:s11], $0x2710  }
0x17: {  	[sflag:s11] =	ssyncset.done $0x0  }
0x18: {  	s16 =	simm.s32 $0x2710;
	[sflag:s11] =	ssyncadd.s32 $0xFFFFD8F0  }
0x19: {  	[tilespmem:s16], [sflag:$0x6] =	stream.linear.gather [hbm4b:s8+s3], $0x2710, $0x38;
	[tilespmem:$0xCE40] =	vst v63  }
0x1a: {  	_ =	swait.ge [sflag:s11], $0x2710  }
0x1b: {  	[sflag:s11] =	ssyncset.done $0x0  }
0x1c: {  	[sflag:s11] =	ssyncadd.s32 $0xFFFFD8F0  }
0x1d: {  	[bflag:$0x0] =	sbarrier.arrive $0xFFFF  }
0x1e: {  	[tilespmem:s14], [sflag:$0x1] =	stream.indirect.gather [hbm4b:s4+s13], $0x20, s3, s13, $0xb8;
	[tilespmem:$0xCE40] =	vst v63  }
0x1f: {  	_ = 	snop  }
0x20: {  	[tilespmem:s15], [sflag:$0x2] =	stream.indirect.gather [hbm4b:s4+s13], $0x20, s13, s13, $0xb8;
	[tilespmem:$0xCE40] =	vst v63  }
0x21: {  	s18 =	simm.s32 $0xA0  }
0x22: {  	[tilespmem:s17], [sflag:$0x3] =	stream.indirect.gather [hbm4b:s4+s13], $0x20, s18, s13, $0xb8;
	[tilespmem:$0xCE40] =	vst v63  }
0x23: {  	s20 =	simm.s32 $0xF0  }
0x24: {  	[tilespmem:s19], [sflag:$0x4] =	stream.indirect.gather [hbm4b:s4+s13], $0x20, s20, s13, $0xb8;
	[tilespmem:$0xCE40] =	vst v63  }
0x25: {  	s18 =	simm.s32 $0x140  }
0x26: {  	[tilespmem:s21], [sflag:$0x5] =	stream.indirect.gather [hbm4b:s4+s13], $0x20, s18, s13, $0xb8;
	[tilespmem:$0xCE40] =	vst v63  }
0x27: {  	_ =	swait.ge [sflag:s22], $0xA00  }
0x28: {  	[sflag:s22] =	ssyncset.done $0x0  }
0x29: {  	s20 =	simm.s32 $0x2710;
	[sflag:s22] =	ssyncadd.s32 $0xFFFFF600  }
0x2a: {  	[spmem:s2] =	stream.indirect.scatter.add.f32 [tilespmem:s14], [sflag:$0x6], $0x20, s20, s13, $0xb8;
	[tilespmem:$0xCE40] =	vst v63  }
0x2b: {  	_ =	swait.ge [sflag:s11], $0xA00  }
0x2c: {  	[sflag:s11] =	ssyncset.done $0x0  }
0x2d: {  	s18 =	simm.s32 $0x190;
	[sflag:s11] =	ssyncadd.s32 $0xFFFFF600  }
0x2e: {  	[tilespmem:s14], [sflag:$0x1] =	stream.indirect.gather [hbm4b:s4+s13], $0x20, s18, s13, $0xb8;
	[tilespmem:$0xCE40] =	vst v63  }
0x2f: {  	_ =	swait.ge [sflag:s23], $0xA00  }
0x30: {  	[sflag:s23] =	ssyncset.done $0x0  }
0x31: {  	s20 =	simm.s32 $0x2760;
	[sflag:s23] =	ssyncadd.s32 $0xFFFFF600  }
0x32: {  	[spmem:s2] =	stream.indirect.scatter.add.f32 [tilespmem:s15], [sflag:$0x6], $0x20, s20, s13, $0xb8;
	[tilespmem:$0xCE40] =	vst v63  }
0x33: {  	_ =	swait.ge [sflag:s11], $0xA00  }
0x34: {  	[sflag:s11] =	ssyncset.done $0x0  }
0x35: {  	s18 =	simm.s32 $0x1E0;
	[sflag:s11] =	ssyncadd.s32 $0xFFFFF600  }
0x36: {  	[tilespmem:s15], [sflag:$0x2] =	stream.indirect.gather [hbm4b:s4+s13], $0x20, s18, s13, $0xb8;
	[tilespmem:$0xCE40] =	vst v63  }
0x37: {  	_ =	swait.ge [sflag:s25], $0xA00  }
0x38: {  	[sflag:s25] =	ssyncset.done $0x0  }
0x39: {  	s20 =	simm.s32 $0x27B0;
	[sflag:s25] =	ssyncadd.s32 $0xFFFFF600  }
0x3a: {  	[spmem:s2] =	stream.indirect.scatter.add.f32 [tilespmem:s17], [sflag:$0x6], $0x20, s20, s13, $0xb8;
	[tilespmem:$0xCE40] =	vst v63  }
0x3b: {  	_ =	swait.ge [sflag:s11], $0xA00  }
0x3c: {  	[sflag:s11] =	ssyncset.done $0x0  }
0x3d: {  	s18 =	simm.s32 $0x230;
	[sflag:s11] =	ssyncadd.s32 $0xFFFFF600  }
0x3e: {  	[tilespmem:s17], [sflag:$0x3] =	stream.indirect.gather [hbm4b:s4+s13], $0x20, s18, s13, $0xb8;
	[tilespmem:$0xCE40] =	vst v63  }
0x3f: {  	_ =	swait.ge [sflag:s26], $0xA00  }
0x40: {  	[sflag:s26] =	ssyncset.done $0x0  }
0x41: {  	s20 =	simm.s32 $0x2800;
	[sflag:s26] =	ssyncadd.s32 $0xFFFFF600  }
0x42: {  	[spmem:s2] =	stream.indirect.scatter.add.f32 [tilespmem:s19], [sflag:$0x6], $0x20, s20, s13, $0xb8;
	[tilespmem:$0xCE40] =	vst v63  }
0x43: {  	_ =	swait.ge [sflag:s11], $0xA00  }
0x44: {  	[sflag:s11] =	ssyncset.done $0x0  }
0x45: {  	s18 =	simm.s32 $0x280;
	[sflag:s11] =	ssyncadd.s32 $0xFFFFF600  }
0x46: {  	[tilespmem:s19], [sflag:$0x4] =	stream.indirect.gather [hbm4b:s4+s13], $0x20, s18, s13, $0xb8;
	[tilespmem:$0xCE40] =	vst v63  }
0x47: {  	_ =	swait.ge [sflag:s28], $0xA00  }
0x48: {  	[sflag:s28] =	ssyncset.done $0x0  }
0x49: {  	s20 =	simm.s32 $0x2850;
	[sflag:s28] =	ssyncadd.s32 $0xFFFFF600  }
0x4a: {  	[spmem:s2] =	stream.indirect.scatter.add.f32 [tilespmem:s21], [sflag:$0x6], $0x20, s20, s13, $0xb8;
	[tilespmem:$0xCE40] =	vst v63  }
0x4b: {  	_ =	swait.ge [sflag:s11], $0xA00  }
0x4c: {  	[sflag:s11] =	ssyncset.done $0x0  }
0x4d: {  	s16 =	simm.s32 $0x640;
	s18 =	simm.s32 $0x2D0;
	[sflag:s11] =	ssyncadd.s32 $0xFFFFF600  }
.LBB2_2:
0x4e: {  	[tilespmem:s21], [sflag:$0x5] =	stream.indirect.gather [hbm4b:s4+s13], $0x20, s18, s13, $0xb8;
	[tilespmem:$0xCE40] =	vst v63  }
0x4f: {  	s18 =	smov.u32 s16  }
0x50: {  	p0 =	sne.s32 s16, $0x8FC0;
	s16 =	sadd.s32 $0x640, s16;
	_ =	swait.ge [sflag:s22], $0xA00  }
0x51: {  	s18 =	sshra.s32 s18, $0x2;
	[sflag:s22] =	ssyncset.done $0x0  }
0x52: {  	s20 =	sadd.s32 $0x2710, s18;
	[sflag:s22] =	ssyncadd.s32 $0xFFFFF600  }
0x53: {  	[spmem:s2] =	stream.indirect.scatter.add.f32 [tilespmem:s14], [sflag:$0x6], $0x20, s20, s13, $0xb8;
	[tilespmem:$0xCE40] =	vst v63  }
0x54: {  	_ =	swait.ge [sflag:s11], $0xA00  }
0x55: {  	[sflag:s11] =	ssyncset.done $0x0  }
0x56: {  	s20 =	sadd.s32 $0x190, s18;
	[sflag:s11] =	ssyncadd.s32 $0xFFFFF600  }
0x57: {  	[tilespmem:s14], [sflag:$0x1] =	stream.indirect.gather [hbm4b:s4+s13], $0x20, s20, s13, $0xb8;
	[tilespmem:$0xCE40] =	vst v63  }
0x58: {  	_ =	swait.ge [sflag:s23], $0xA00  }
0x59: {  	[sflag:s23] =	ssyncset.done $0x0  }
0x5a: {  	s20 =	sadd.s32 $0x2760, s18;
	[sflag:s23] =	ssyncadd.s32 $0xFFFFF600  }
0x5b: {  	[spmem:s2] =	stream.indirect.scatter.add.f32 [tilespmem:s15], [sflag:$0x6], $0x20, s20, s13, $0xb8;
	[tilespmem:$0xCE40] =	vst v63  }
0x5c: {  	_ =	swait.ge [sflag:s11], $0xA00  }
0x5d: {  	[sflag:s11] =	ssyncset.done $0x0  }
0x5e: {  	s20 =	sadd.s32 $0x1E0, s18;
	[sflag:s11] =	ssyncadd.s32 $0xFFFFF600  }
0x5f: {  	[tilespmem:s15], [sflag:$0x2] =	stream.indirect.gather [hbm4b:s4+s13], $0x20, s20, s13, $0xb8;
	[tilespmem:$0xCE40] =	vst v63  }
0x60: {  	_ =	swait.ge [sflag:s25], $0xA00  }
0x61: {  	[sflag:s25] =	ssyncset.done $0x0  }
0x62: {  	s20 =	sadd.s32 $0x27B0, s18;
	[sflag:s25] =	ssyncadd.s32 $0xFFFFF600  }
0x63: {  	[spmem:s2] =	stream.indirect.scatter.add.f32 [tilespmem:s17], [sflag:$0x6], $0x20, s20, s13, $0xb8;
	[tilespmem:$0xCE40] =	vst v63  }
0x64: {  	_ =	swait.ge [sflag:s11], $0xA00  }
0x65: {  	[sflag:s11] =	ssyncset.done $0x0  }
0x66: {  	s20 =	sadd.s32 $0x230, s18;
	[sflag:s11] =	ssyncadd.s32 $0xFFFFF600  }
0x67: {  	[tilespmem:s17], [sflag:$0x3] =	stream.indirect.gather [hbm4b:s4+s13], $0x20, s20, s13, $0xb8;
	[tilespmem:$0xCE40] =	vst v63  }
0x68: {  	_ =	swait.ge [sflag:s26], $0xA00  }
0x69: {  	[sflag:s26] =	ssyncset.done $0x0  }
0x6a: {  	s20 =	sadd.s32 $0x2800, s18;
	[sflag:s26] =	ssyncadd.s32 $0xFFFFF600  }
0x6b: {  	[spmem:s2] =	stream.indirect.scatter.add.f32 [tilespmem:s19], [sflag:$0x6], $0x20, s20, s13, $0xb8;
	[tilespmem:$0xCE40] =	vst v63  }
0x6c: {  	_ =	swait.ge [sflag:s11], $0xA00  }
0x6d: {  	[sflag:s11] =	ssyncset.done $0x0  }
0x6e: {  	s20 =	sadd.s32 $0x280, s18;
	[sflag:s11] =	ssyncadd.s32 $0xFFFFF600  }
0x6f: {  	[tilespmem:s19], [sflag:$0x4] =	stream.indirect.gather [hbm4b:s4+s13], $0x20, s20, s13, $0xb8;
	[tilespmem:$0xCE40] =	vst v63  }
0x70: {  	_ =	swait.ge [sflag:s28], $0xA00  }
0x71: {  	[sflag:s28] =	ssyncset.done $0x0  }
.Ltmp0:
0x72: {  	s20 =	sadd.s32 $0x2850, s18;
	[sflag:s28] =	ssyncadd.s32 $0xFFFFF600;
	(pc) =	sbr.rel @p0 .LBB2_2-.Ltmp0, $4  }
0x73: {  	[spmem:s2] =	stream.indirect.scatter.add.f32 [tilespmem:s21], [sflag:$0x6], $0x20, s20, s13, $0xb8;
	[tilespmem:$0xCE40] =	vst v63  }
0x74: {  	_ =	swait.ge [sflag:s11], $0xA00  }
0x75: {  	[sflag:s11] =	ssyncset.done $0x0  }
0x76: {  	s18 =	sadd.s32 $0x2D0, s18;
	[sflag:s11] =	ssyncadd.s32 $0xFFFFF600  }
0x77: {  	[tilespmem:s21], [sflag:$0x5] =	stream.indirect.gather [hbm4b:s4+s13], $0x20, s18, s13, $0xb8;
	[tilespmem:$0xCE40] =	vst v63  }
0x78: {  	_ =	swait.ge [sflag:s22], $0xA00  }
0x79: {  	[sflag:s22] =	ssyncset.done $0x0  }
0x7a: {  	[sflag:s22] =	ssyncadd.s32 $0xFFFFF600  }
0x7b: {  	[spmem:s2] =	stream.indirect.scatter.add.f32 [tilespmem:s14], [sflag:$0x6], $0x20, s29, s13, $0xb8;
	[tilespmem:$0xCE40] =	vst v63  }
0x7c: {  	_ =	swait.ge [sflag:s11], $0xA00  }
0x7d: {  	[sflag:s11] =	ssyncset.done $0x0  }
0x7e: {  	[sflag:s11] =	ssyncadd.s32 $0xFFFFF600  }
0x7f: {  	_ =	swait.ge [sflag:s23], $0xA00  }
0x80: {  	[sflag:s23] =	ssyncset.done $0x0  }
0x81: {  	[sflag:s23] =	ssyncadd.s32 $0xFFFFF600  }
0x82: {  	[spmem:s2] =	stream.indirect.scatter.add.f32 [tilespmem:s15], [sflag:$0x6], $0x20, s30, s13, $0xb8;
	[tilespmem:$0xCE40] =	vst v63  }
0x83: {  	_ =	swait.ge [sflag:s11], $0xA00  }
0x84: {  	[sflag:s11] =	ssyncset.done $0x0  }
0x85: {  	[sflag:s11] =	ssyncadd.s32 $0xFFFFF600  }
0x86: {  	_ =	swait.ge [sflag:s25], $0xA00  }
0x87: {  	[sflag:s25] =	ssyncset.done $0x0  }
0x88: {  	[sflag:s25] =	ssyncadd.s32 $0xFFFFF600  }
0x89: {  	[spmem:s2] =	stream.indirect.scatter.add.f32 [tilespmem:s17], [sflag:$0x6], $0x20, s31, s13, $0xb8;
	[tilespmem:$0xCE40] =	vst v63  }
0x8a: {  	_ =	swait.ge [sflag:s11], $0xA00  }
0x8b: {  	[sflag:s11] =	ssyncset.done $0x0  }
0x8c: {  	[sflag:s11] =	ssyncadd.s32 $0xFFFFF600  }
0x8d: {  	_ =	swait.ge [sflag:s26], $0xA00  }
0x8e: {  	[sflag:s26] =	ssyncset.done $0x0  }
0x8f: {  	[sflag:s26] =	ssyncadd.s32 $0xFFFFF600  }
0x90: {  	[spmem:s2] =	stream.indirect.scatter.add.f32 [tilespmem:s19], [sflag:$0x6], $0x20, s1, s13, $0xb8;
	[tilespmem:$0xCE40] =	vst v63  }
0x91: {  	_ =	swait.ge [sflag:s11], $0xA00  }
0x92: {  	[sflag:s11] =	ssyncset.done $0x0  }
0x93: {  	[sflag:s11] =	ssyncadd.s32 $0xFFFFF600  }
0x94: {  	_ =	swait.ge [sflag:s28], $0xA00  }
0x95: {  	[sflag:s28] =	ssyncset.done $0x0  }
0x96: {  	[sflag:s28] =	ssyncadd.s32 $0xFFFFF600  }
0x97: {  	[spmem:s2] =	stream.indirect.scatter.add.f32 [tilespmem:s21], [sflag:$0x6], $0x20, s0, s13, $0xb8;
	[tilespmem:$0xCE40] =	vst v63  }
0x98: {  	_ =	swait.ge [sflag:s11], $0xA00  }
0x99: {  	s12 =	sadd.s32 $0x1, s12;
	[sflag:s11] =	ssyncset.done $0x0  }
0x9a: {  	p0 =	sne.s32 s12, s9;
	[sflag:s11] =	ssyncadd.s32 $0xFFFFF600  }
.Ltmp1:
0x9b: {  	[bflag:$0x0] =	sbarrier.arrive $0xFFFF;
	(pc) =	sbr.rel @p0 .LBB2_1-.Ltmp1, $4  }
0x9c: {  	[hbm:s24], [sflag:s6] =	dma.local [spmem:s10], $0x9C4  }
0x9d: {  	_ =	swait.ge [sflag:s11], $0x9C4  }
0x9e: {  	[sflag:s11] =	ssyncset.done $0x0  }
0x9f: {  	[sflag:s11] =	ssyncadd.s32 $0xFFFFF63C  }
0xa0: {  	_ =	sfence.sel $0x180000  }
0xa1: {  	[bflag:$0x0] =	sbarrier.arrive $0xFFFF  }
0xa2: {  	_ =	strace $0x9000004D  }
0xa3: {  	s0 =	stileid.u32;
	[bflag:$0x2] =	sbarrier.arrive $0xFFFF  }
0xa4: {  	p0 =	sne.s32 s0, $0x0;
	s0 =	rddreg [dreg:$0x2]  }
0xa5: {  	s0 =	sadd.s32 @!p0 $0x100000, s0  }
0xa6: {  	[sflag:s0] =	ssyncadd.tile.s32 @!p0 $0x1;
	_ =	shalt  }
.Lfunc_end2:
_tile_overlayer_lowered:
.L_overlay_start_2:
0xa7: {  	(tag) =	ssettag $0x2  }
0xa8: {  	s0 =	rddreg [dreg:$0x0];
	s2 =	stileid.u32  }
0xa9: {  	s1 =	rddreg [dreg:$0x1];
	p0 =	sne.s32 s2, $0x0  }
0xaa: {  	s3 =	rddreg [dreg:$0x2];
	[bflag:$0x3] =	sbarrier.arrive $0xFFFF;
	s2 =	simm.s32 @!p0 $0x1C06  }
0xab: {  	[timem:s3], [sflag:s2] =	dma.local @!p0 [hbm:s0], s1  }
0xac: {  	s0 =	simm.s32 @!p0 $0x6  }
0xad: {  	_ =	swait.ge @!p0 [sflag:s0], s1  }
0xae: {  	s1 =	ssub.s32 @!p0 $0x0, s1;
	[sflag:s0] =	ssyncset.done @!p0 $0x0  }
0xaf: {  	[sflag:s0] =	ssyncadd.s32 @!p0 s1  }
0xb0: {  	[bflag:$0x3] =	sbarrier.arrive $0xFFFF  }
0xb1: {  	_ =	shalt  }

// kernel: kernel.8.cloned.1.call-start
scs
__scs_entry_jumppad:
0x0: {  	(pc) =	sbr.rel $0x88, $3  }
0x1: {  	(tag) =	ssettag $0x0;
	lr =	simm.s32 $0x1  }
0x2: {  	[smem:$0x3F9A] =	sst lr;
	_ =	strace $0xD0000000  }
0x3: {  	_ = 	snop  }
0x4: {  	_ = 	snop  }
0x5: {  	_ = 	snop  }
0x6: {  	_ = 	snop  }
0x7: {  	_ = 	snop  }
__scs_overlays_trampoline_lowered:
0x8: {  	[smem:$0x3FA9] =	sst s0  }
0x9: {  	[smem:$0x3FAA] =	sst s1  }
0xa: {  	[smem:$0x3FAB] =	sst s2  }
0xb: {  	[smem:$0x3FAC] =	sst s3  }
0xc: {  	[smem:$0x3FAD] =	sst s4  }
0xd: {  	[smem:$0x3FAE] =	sst s5  }
0xe: {  	[smem:$0x3FAF] =	sst s6  }
0xf: {  	[smem:$0x3FB0] =	sst s7  }
0x10: {  	[smem:$0x3FB1] =	sst s8  }
0x11: {  	[smem:$0x3FB2] =	sst s9;
	s0 =	simm.s32 @!p0 $0x0  }
0x12: {  	s1 =	sld [smem:$0x3F98];
	s0 =	simm.s32 @p0 $0x1  }
0x13: {  	[smem:$0x3FB3] =	sst s0;
	s0 =	simm.s32 @!p1 $0x0  }
0x14: {  	s2 =	sld [smem:$0x3F97];
	s0 =	simm.s32 @p1 $0x1  }
0x15: {  	[smem:$0x3FB4] =	sst s0;
	s0 =	simm.s32 @!p2 $0x0  }
0x16: {  	s3 =	sld [smem:$0x3FDB];
	s0 =	simm.s32 @p2 $0x1  }
0x17: {  	s4 =	simm.s32 $0x1BF5;
	[smem:$0x3FB6] =	sst s0  }
0x18: {  	s0 =	sld [smem:$0x3F99];
	_ =	swait.ge [sflag:s4], $0x0  }
0x19: {  	s7 =	sld [smem:$0x3F9A]  }
0x1a: {  	s8 =	sadd.s32 $0xFFFFE003, lr  }
0x1b: {  	s9 =	sadd.s32 $0xFFFFFEF7, lr;
	s5 =	simm.s32 $0xFFFFFFFF;
	p2 =	slt.u32 s8, $0xFFFFF086  }
0x1c: {  	p1 =	slt.u32 s9, $0xF7A;
	s5 =	simm.s32 @!p2 $0x0  }
0x1d: {  	s5 =	simm.s32 @p1 $0x1;
	p0 =	seq.s32 s7, s2  }
0x1e: {  	s7 =	smul.u32 @!p0 $0xF7A, s2;
	p2 =	seq.s32 @!p0 s5, $0x0  }
0x1f: {  	s9 =	smul.u32 $0xF7A, s1;
	s8 =	simm.s32 @!p0 $0x1BF5;
	p2 =	por !p2, p0  }
0x20: {  	[sflag:s8] =	ssyncset.s32 @!p0 $0xFFFFF086;
	s6 =	sadd.s32 @!p0 s3, s7;
	s7 =	simm.s32 @!p0 $0x108  }
0x21: {  	s3 =	sadd.s32 s3, s9;
	s6 =	sadd.s32 @!p0 $0x88, s6;
	s7 =	simm.s32 @p2 $0x1082  }
0x22: {  	[simem:s7], [sflag:s8] =	dma.local @!p0 [hbm:s6], $0xF7A  }
0x23: {  	s9 =	sor.u32 $0xD0000000, s2;
	s6 =	simm.s32 $0x108;
	_ =	swait.ge @!p0 [sflag:s8], $0x0  }
0x24: {  	s3 =	sadd.s32 $0x88, s3;
	s6 =	simm.s32 @!p1 $0x1082;
	[sflag:s4] =	ssyncset.s32 $0xFFFFF086  }
0x25: {  	[simem:s6], [sflag:s4] =	dma.local [hbm:s3], $0xF7A  }
0x26: {  	[smem:$0x3F9A] =	sst s1;
	(tag) =	ssettag s2;
	_ =	strace s9  }
0x27: {  	s1 =	sld [smem:$0x3FAA]  }
0x28: {  	s2 =	sld [smem:$0x3FAB]  }
0x29: {  	s4 =	sld [smem:$0x3FAD]  }
0x2a: {  	p0 =	seq.s32 s5, $0x0;
	s5 =	sld [smem:$0x3FAE]  }
0x2b: {  	s6 =	sld [smem:$0x3FAF]  }
0x2c: {  	s7 =	sld [smem:$0x3FB0]  }
0x2d: {  	s3 =	simm.s32 $0x108;
	s8 =	sld [smem:$0x3FB1]  }
0x2e: {  	s3 =	simm.s32 @!p0 $0x1082;
	s9 =	sld [smem:$0x3FB2]  }
0x2f: {  	lr =	sadd.s32 s0, s3;
	s0 =	sld [smem:$0x3FA9]  }
0x30: {  	s3 =	sld [smem:$0x3FAC]  }
0x31: {  	[smem:$0x3FB5] =	sst s10  }
0x32: {  	s10 =	sld [smem:$0x3FB3];
	_ =	sdelay $0x3  }
0x33: {  	p0 =	seq.s32 s10, $0x1;
	s10 =	sld [smem:$0x3FB5];
	_ =	sdelay $0x3  }
0x34: {  	[smem:$0x3FB5] =	sst s10  }
0x35: {  	s10 =	sld [smem:$0x3FB4];
	_ =	sdelay $0x3  }
0x36: {  	p1 =	seq.s32 s10, $0x1;
	s10 =	sld [smem:$0x3FB5];
	_ =	sdelay $0x3  }
0x37: {  	[smem:$0x3FB5] =	sst s10  }
0x38: {  	s10 =	sld [smem:$0x3FB6]  }
0x39: {  	_ = 	snop;
	(pc) =	sbr.ind lr, $3  }
0x3a: {  	_ = 	snop  }
0x3b: {  	_ = 	snop  }
0x3c: {  	p2 =	seq.s32 s10, $0x1;
	s10 =	sld [smem:$0x3FB5]  }
0x3d: {  	_ =	shalt  }
0x3e: {  	_ =	shalt  }
0x3f: {  	_ =	shalt  }
0x40: {  	_ =	shalt  }
0x41: {  	_ =	shalt  }
0x42: {  	_ =	shalt  }
0x43: {  	_ =	shalt  }
0x44: {  	_ =	shalt  }
0x45: {  	_ =	shalt  }
0x46: {  	_ =	shalt  }
0x47: {  	_ =	shalt  }
0x48: {  	_ =	shalt  }
0x49: {  	_ =	shalt  }
0x4a: {  	_ =	shalt  }
0x4b: {  	_ =	shalt  }
0x4c: {  	_ =	shalt  }
0x4d: {  	_ =	shalt  }
0x4e: {  	_ =	shalt  }
0x4f: {  	_ =	shalt  }
0x50: {  	_ =	shalt  }
0x51: {  	_ =	shalt  }
0x52: {  	_ =	shalt  }
0x53: {  	_ =	shalt  }
0x54: {  	_ =	shalt  }
0x55: {  	_ =	shalt  }
0x56: {  	_ =	shalt  }
0x57: {  	_ =	shalt  }
0x58: {  	_ =	shalt  }
0x59: {  	_ =	shalt  }
0x5a: {  	_ =	shalt  }
0x5b: {  	_ =	shalt  }
0x5c: {  	_ =	shalt  }
0x5d: {  	_ =	shalt  }
0x5e: {  	_ =	shalt  }
0x5f: {  	_ =	shalt  }
0x60: {  	_ =	shalt  }
0x61: {  	_ =	shalt  }
0x62: {  	_ =	shalt  }
0x63: {  	_ =	shalt  }
0x64: {  	_ =	shalt  }
0x65: {  	_ =	shalt  }
0x66: {  	_ =	shalt  }
0x67: {  	_ =	shalt  }
0x68: {  	_ =	shalt  }
0x69: {  	_ =	shalt  }
0x6a: {  	_ =	shalt  }
0x6b: {  	_ =	shalt  }
0x6c: {  	_ =	shalt  }
0x6d: {  	_ =	shalt  }
0x6e: {  	_ =	shalt  }
0x6f: {  	_ =	shalt  }
0x70: {  	_ =	shalt  }
0x71: {  	_ =	shalt  }
0x72: {  	_ =	shalt  }
0x73: {  	_ =	shalt  }
0x74: {  	_ =	shalt  }
0x75: {  	_ =	shalt  }
0x76: {  	_ =	shalt  }
0x77: {  	_ =	shalt  }
0x78: {  	_ =	shalt  }
0x79: {  	_ =	shalt  }
0x7a: {  	_ =	shalt  }
0x7b: {  	_ =	shalt  }
0x7c: {  	_ =	shalt  }
0x7d: {  	_ =	shalt  }
0x7e: {  	_ =	shalt  }
0x7f: {  	_ =	shalt  }
0x80: {  	_ =	shalt  }
0x81: {  	_ =	shalt  }
0x82: {  	_ =	shalt  }
0x83: {  	_ =	shalt  }
0x84: {  	_ =	shalt  }
0x85: {  	_ =	shalt  }
0x86: {  	_ =	shalt  }
0x87: {  	_ =	shalt  }
.Lfunc_end0:
.L_simem_size_0:
called_computation_lowered:
.L_overlay_start_0:
0x88: {  	s2 =	sld [smem:$0x3FD9]  }
0x89: {  	s3 =	sld [smem:$0x3FFE];
	_ =	sdelay $0x1  }
0x8a: {  	s1 =	srdreg.scid  }
0x8b: {  	s0 =	sand.u32 $0x1, s1  }
0x8c: {  	s17 =	sshll.u32 s0, $0xA;
	s2 =	sadd.s32 s3, s2  }
0x8d: {  	s2 =	sadd.s32 s2, s17  }
0x8e: {  	[smem:$0x3FC1] =	sst s2  }
0x8f: {  	_ = 	snop  }
0x90: {  	s2 =	sld [smem:$0x3FD0];
	(tm) =	ssettm $0x1  }
0x91: {  	s18 =	sld [smem:$0x3FFB];
	_ =	sdelay $0x3  }
0x92: {  	_ =	strace s18  }
0x93: {  	s3 =	sld [smem:$0x3FFC];
	_ =	sdelay $0x3  }
0x94: {  	_ =	strace s3  }
0x95: {  	s3 =	sld [smem:$0x3FFD];
	_ =	sdelay $0x3  }
0x96: {  	_ =	strace s3  }
0x97: {  	_ =	strace $0x8FFFFFFF  }
0x98: {  	s19 =	sld [smem:$0x3FDB];
	_ =	sdelay $0x1  }
0x99: {  	s4 =	simm.s32 $_scs_section_size  }
0x9a: {  	s5 =	simm.s32 $_size__tile_overlayer_lowered;
	s6 =	simm.s32 $_tile_overlayer_lowered  }
0x9b: {  	s22 =	simm.s32 $0x1BFF;
	s21 =	sshll.u32 s6, $0x1;
	s3 =	sadd.s32 s4, s19  }
0x9c: {  	s7 =	simm.s32 $0x0;
	s20 =	sshll.u32 s5, $0x1;
	s5 =	sadd.s32 s21, s3  }
0x9d: {  	[timem:s7], [sflag:s22] =	dma.local [hbm:s5], s20  }
0x9e: {  	_ =	swait.ge [sflag:s22], s20  }
0x9f: {  	s4 =	ssub.s32 $0x0, s20;
	[sflag:s22] =	ssyncset.done $0x0  }
0xa0: {  	[sflag:s22] =	ssyncadd.s32 s4;
	_ =	sdelay $0x1  }
0xa1: {  	s23 =	simm.s32 $0x1B8B  }
0xa2: {  	_ =	swait.ge [sflag:s23], $0x1  }
0xa3: {  	[sflag:s23] =	ssyncset.done $0x0  }
0xa4: {  	s25 =	simm.s32 $0x1B8E;
	s24 =	sld [smem:$0x3FFE];
	[sflag:s23] =	ssyncadd.s32 $0xFFFFFFFF  }
0xa5: {  	s26 =	simm.s32 $execute0_lowered;
	[smem:$0x3FD2] =	sst s25  }
0xa6: {  	s5 =	sshll.u32 s26, $0x1;
	_ =	strace $0x80000046;
	[dreg:$0x1] =	wrdreg $0xFFFFFFFF  }
0xa7: {  	s28 =	simm.s32 $_size_execute0_lowered;
	s3 =	sadd.s32 s3, s5;
	[dreg:$0x0] =	wrdreg $0x0  }
0xa8: {  	s5 =	sshll.u32 s28, $0x1;
	[dreg:$0x2] =	wrdreg s3  }
0xa9: {  	[dreg:$0x3] =	wrdreg s5  }
0xaa: {  	[dreg:$0x4] =	wrdreg $0xC0  }
0xab: {  	_ =	task [dreg:s7], $0x5FFFF  }
0xac: {  	[dreg:$0x1] =	wrdreg $0xFFFFFFFF  }
0xad: {  	[dreg:$0x0] =	wrdreg $0x60  }
0xae: {  	[dreg:$0x2] =	wrdreg s24  }
0xaf: {  	[dreg:$0x3] =	wrdreg s2  }
0xb0: {  	[dreg:$0x4] =	wrdreg $0x9  }
0xb1: {  	_ =	task.clear_ibuf [dreg:s7], $0x5FFFF;
	_ =	strace $0x90000046  }
0xb2: {  	s29 =	simm.s32 $0x9;
	_ =	strace $0x80000048  }
0xb3: {  	_ =	swait.ge [sflag:s29], $0x1  }
0xb4: {  	[sflag:s29] =	ssyncadd.s32 $0xFFFFFFFF  }
0xb5: {  	_ =	strace $0x90000048  }
0xb6: {  	_ =	sfence  }
0xb7: {  	s30 =	sld [smem:$0x0];
	_ =	sdelay $0x2  }
0xb8: {  	s31 =	sshll.u32 s1, $0xD;
	s1 =	sshrl.u32 s1, $0x2  }
0xb9: {  	s3 =	sand.u32 $0x4000, s31;
	s1 =	sadd.s32 s1, s30  }
0xba: {  	s0 =	sor.u32 s3, s0;
	s1 =	sshll.u32 s1, $0x11  }
0xbb: {  	s0 =	sor.u32 s1, s0  }
0xbc: {  	s0 =	sadd.s32 $0x8F2B, s0  }
0xbd: {  	[sflag:s0] =	ssyncadd.remote.s32 $0x1  }
0xbe: {  	_ =	sfence.sel $0xFFFF  }
0xbf: {  	[dreg:$0x0] =	wrdreg $0xFFFFFFFF;
	(pc) =	sbr.abs _section_cstart, $3  }
0xc0: {  	[dreg:$0x1] =	wrdreg $0xFFFFFFFF  }
0xc1: {  	_ =	task.clear_ibuf [dreg:s7], $0x2FFFF;
	_ =	strace $0x9FFFFFFF  }
0xc2: {  	(tm) =	ssettm $0x7FFFFFFF  }
0xc3: {  	_ =	shalt  }
tec
execute0_lowered:
.L_overlay_start_1:
0x0: {  	(tag) =	ssettag $0x1  }
0x1: {  	s0 =	srdreg.scid  }
0x2: {  	s3 =	rddreg [dreg:$0x0];
	s4 =	sand.u32 $0x1, s0  }
0x3: {  	s5 =	rddreg [dreg:$0x1];
	s1 =	stileid.u32;
	s6 =	sshll.u32 s4, $0x4  }
0x4: {  	s2 =	simm.s32 $0x0;
	s9 =	simm.s32 $0x0;
	s6 =	sor.u32 s1, s6  }
0x5: {  	s0 =	rddreg [dreg:$0x2];
	s4 =	ssub.s32 $0x2, s4;
	s7 =	smul.u32 $0x271, s6  }
0x6: {  	v0 =	vlaneseq.u32;
	[smem:$0x7FF] =	sst s2;
	s8 =	sshrl.u32 s4, $0x1;
	s6 =	smul.u32 $0x500, s6  }
0x7: {  	v1 =	vmul.u32 $0xFFFFFFFF, v0;
	_ =	strace $0x80000047;
	s8 =	ssub.s32 s4, s8;
	s7 =	sadd.s32 s7, s3  }
0x8: {  	s3 =	sadd.s32 $0xB400, s3;
	s5 =	sadd.s32 s5, s6;
	s6 =	smax.u32 s8, $0x1  }
0x9: {  	v2 =	vimm.f32 $1.000000000e+00;
	v0 =	vimm.s32 $0x0;
	v1 =	vadd.s32 $0x1388, v1;
	s8 =	simm.s32 $0x1;
	s4 =	sadd.s32 $0x6400, s7;
	s7 =	simm.s32 $0x1390  }
.LBB2_1:
0xa: {  	[tilespmem:s7], [sflag:$0x1] =	stream.linear.gather [hbm4b:s3+s2], $0x2800, $0x38;
	[tilespmem:$0x3B90] =	vst v63  }
0xb: {  	_ =	swait.ge [sflag:s8], $0x2800  }
0xc: {  	[sflag:s8] =	ssyncset.done $0x0  }
0xd: {  	[sflag:s8] =	ssyncadd.s32 $0xFFFFD800  }
0xe: {  	[tilespmem:$0x1380] =	vst v0  }
0xf: {  	[tilespmem:s2], [sflag:$0x1] =	stream.linear.gather [hbm4b:s4+s2], $0x1388, $0x38;
	[tilespmem:$0x3B90] =	vst v63  }
0x10: {  	_ =	swait.ge [sflag:s8], $0x1388  }
0x11: {  	[sflag:s8] =	ssyncset.done $0x0  }
0x12: {  	[sflag:s8] =	ssyncadd.s32 $0xFFFFEC78  }
0x13: {  	s10 =	simm.s32 $0x10;
	s11 =	simm.s32 $0x0;
	s12 =	simm.s32 $0x0;
	v3 =	vld [tilespmem:s2+$0x0]  }
.LBB2_2:
0x14: {  	p0 =	sne.s32 s10, $0x1380;
	v4 =	vmov s11;
	s11 =	smov.u32 s10  }
0x15: {  	vm0 =	vlt.u32 v4, v1;
	_ =	sdelay $0x2  }
.Ltmp0:
0x16: {  	(pc) =	sbr.rel @p0 .LBB2_2-.Ltmp0, $3  }
0x17: {  	_ =	sdelay $0x1  }
0x18: {  	s12 =	sadd.s32 $0x10, s12;
	[tilespmem:v3+s7+$0x0] =	vst.idx.add.f32.msk vm0, v2  }
0x19: {  	s10 =	sadd.s32 $0x10, s10;
	v3 =	vld [tilespmem:s12+$0x0]  }
0x1a: {  	_ = 	snop  }
0x1b: {  	v4 =	vmov s11  }
0x1c: {  	vm0 =	vlt.u32 v4, v1;
	_ =	sdelay $0x3  }
0x1d: {  	s9 =	sadd.s32 $0x1, s9  }
0x1e: {  	p0 =	sne.s32 s9, s6  }
.Ltmp1:
0x1f: {  	[tilespmem:v3+s7+$0x0] =	vst.idx.add.f32.msk vm0, v2;
	(pc) =	sbr.rel @p0 .LBB2_1-.Ltmp1, $4  }
0x20: {  	[hbm4b:s5+s2] =	stream.linear.scatter [tilespmem:s7], [sflag:$0x1], $0x2800, $0x38;
	[tilespmem:$0x3B90] =	vst v63  }
0x21: {  	_ =	swait.ge [sflag:s8], $0x2800  }
0x22: {  	[sflag:s8] =	ssyncset.done $0x0  }
0x23: {  	[sflag:s8] =	ssyncadd.s32 $0xFFFFD800  }
0x24: {  	_ =	sfence.sel $0x180000  }
0x25: {  	[bflag:$0x0] =	sbarrier.arrive $0xFFFF  }
0x26: {  	p0 =	sne.s32 s1, $0x0;
	_ =	strace $0x90000047  }
0x27: {  	s0 =	sadd.s32 @!p0 $0x100000, s0;
	[bflag:$0x2] =	sbarrier.arrive $0xFFFF  }
0x28: {  	[sflag:s0] =	ssyncadd.tile.s32 @!p0 $0x1;
	_ =	shalt  }
.Lfunc_end2:
_tile_overlayer_lowered:
.L_overlay_start_2:
0x29: {  	(tag) =	ssettag $0x2  }
0x2a: {  	s0 =	rddreg [dreg:$0x0];
	s2 =	stileid.u32  }
0x2b: {  	s1 =	rddreg [dreg:$0x1];
	p0 =	sne.s32 s2, $0x0  }
0x2c: {  	s3 =	rddreg [dreg:$0x2];
	[bflag:$0x3] =	sbarrier.arrive $0xFFFF;
	s2 =	simm.s32 @!p0 $0x1C01  }
0x2d: {  	[timem:s3], [sflag:s2] =	dma.local @!p0 [hbm:s0], s1  }
0x2e: {  	s0 =	simm.s32 @!p0 $0x1  }
0x2f: {  	_ =	swait.ge @!p0 [sflag:s0], s1  }
0x30: {  	s1 =	ssub.s32 @!p0 $0x0, s1;
	[sflag:s0] =	ssyncset.done @!p0 $0x0  }
0x31: {  	[sflag:s0] =	ssyncadd.s32 @!p0 s1  }
0x32: {  	[bflag:$0x3] =	sbarrier.arrive $0xFFFF  }
0x33: {  	_ =	shalt  }

</sc_bundles>
